<compile_context>
chip_gen: v7x
topology: tpu7x:2x2x1
jax: 0.10.2.dev20260603
libtpu: 0.0.44.dev20260713+nightly
codegen_flags: <defaults>
</compile_context>

<pallas_src>
import functools

import jax
import jax.numpy as jnp
from jax import lax
from jax.experimental import pallas as pl
from jax.experimental.pallas import tpu as pltpu
from jax.experimental.pallas import tpu_sc as plsc

_D = 128
_N = 262144
_NC = 2
_NS = 16
_NW = _NC * _NS
_B = _N // _NW
_L = 16
_SUB = 8
_LANE = 128
_CW = 128
_CH = _B // _CW


def _sc_body(buf_hbm, spikes_hbm, delays_hbm, wp_hbm, out_hbm,
             delays_v, spikes_v, wp_v, idx_v, gath_v, sem, spk_sem):
    cid = lax.axis_index("c")
    sid = lax.axis_index("s")
    wid = sid * _NC + cid
    base = wid * _B

    pltpu.sync_copy(delays_hbm.at[pl.ds(base, _B)], delays_v)
    spk_cp = pltpu.async_copy(spikes_hbm.at[pl.ds(base, _B)], spikes_v, spk_sem)
    pltpu.sync_copy(wp_hbm, wp_v)
    wp = wp_v[...]
    lane = lax.iota(jnp.int32, _L)

    def fire_body(c, carry):
        colpart0 = ((base >> 7) + c) * (_SUB * _LANE)
        for s in range(_CW // _L):
            off = c * _CW + s * _L
            d = delays_v[pl.ds(off, _L)]
            r = jnp.bitwise_and(wp + (_D - d), _D - 1)
            idx_v[c, pl.ds(s * _L, _L)] = (
                (r >> 3) * (_SUB * (_N // _LANE) * _LANE)
                + jnp.bitwise_and(r, _SUB - 1) * _LANE
                + (colpart0 + s * _L + lane)
            )
        pltpu.async_copy(buf_hbm.at[idx_v.at[c]], gath_v.at[c], sem)
        return carry

    lax.fori_loop(0, _CH, fire_body, 0)
    spk_cp.wait()

    def drain_body(c2, carry):
        for u in range(2):
            c = c2 * 2 + u
            pltpu.make_async_copy(buf_hbm.at[idx_v.at[c]], gath_v.at[c],
                                  sem).wait()
            for s in range(_CW // _L):
                off = c * _CW + s * _L
                sl = pl.ds(s * _L, _L)
                d = delays_v[pl.ds(off, _L)]
                g = gath_v[c, sl]
                sp = spikes_v[pl.ds(off, _L)]
                gath_v[c, sl] = jnp.where(d == 0, sp, g)
        return carry

    lax.fori_loop(0, _CH // 2, drain_body, 0)
    pltpu.sync_copy(gath_v, out_hbm.at[wid])


_sc_call = functools.partial(
    pl.kernel,
    out_type=jax.ShapeDtypeStruct((_NW, _CH, _CW), jnp.float32),
    mesh=plsc.VectorSubcoreMesh(core_axis_name="c", subcore_axis_name="s"),
    scratch_types=[
        pltpu.VMEM((_B,), jnp.int32),
        pltpu.VMEM((_B,), jnp.float32),
        pltpu.VMEM((_L,), jnp.int32),
        pltpu.VMEM((_CH, _CW), jnp.int32),
        pltpu.VMEM((_CH, _CW), jnp.float32),
        pltpu.SemaphoreType.DMA,
        pltpu.SemaphoreType.DMA,
    ],
)(_sc_body)


def kernel(buffer, spikes, delays, write_ptr):
    buf_flat = (buffer.reshape(_D // _SUB, _SUB, _N // _LANE, _LANE)
                .transpose(0, 2, 1, 3)
                .reshape(_D * _N))
    wp_scalar = jnp.mod(jnp.asarray(write_ptr, jnp.int32), _D)
    wp = jnp.full((_L,), wp_scalar, jnp.int32)
    delays32 = delays.astype(jnp.int32)
    out = _sc_call(buf_flat, spikes, delays32, wp)
    return out.reshape(_N)

# --- scband reference (transcript-rebuilt; emitter-appended) ---
"""Pipeline reference for scband-axonal-tract-71829033058853 (READ-ONLY COPY).

The authoritative reference and input builder live on the scoring server;
editing this copy changes nothing except your own understanding.
"""

import jax, jax.numpy as jnp
import numpy as np

D = 128
N = 262144

def setup_inputs(seed: int = 0) -> dict:
    key = jax.random.key(seed)
    k1, k2, k3 = jax.random.split(key, 3)
    buffer = jax.random.uniform(k1, (D, N), dtype=jnp.float32)
    spikes = jax.random.uniform(k2, (N,), dtype=jnp.float32)
    delays = jax.random.randint(k3, (N,), 0, D, dtype=jnp.int64 if jax.config.jax_enable_x64 else jnp.int32).astype(jnp.int32)
    write_ptr = 5
    return {"buffer": buffer, "spikes": spikes, "delays": delays, "write_ptr": write_ptr}

def reference(buffer, spikes, delays, write_ptr):
    # AxonalTract core op for one source population with heterogeneous delays:
    # 1) write_and_advance: scatter-overwrite current spikes into the circular
    #    delay buffer at the write pointer row.
    buf = buffer.at[write_ptr].set(spikes)
    # 2) read_delayed_outputs (HeterogeneousDelayBuffer.read_heterogeneous):
    #    per-neuron gather at (write_ptr - delay_steps) mod max_delay.
    Dloc = buf.shape[0]
    Nloc = buf.shape[1]
    read_rows = jnp.mod(write_ptr - delays, Dloc)
    cols = jnp.arange(Nloc)
    delayed_spikes = buf[read_rows, cols]
    return delayed_spikes

if __name__ == "__main__":
    import jax
    _d = setup_inputs()
    print(jax.jit(kernel)(*tuple(_d.values())))

</pallas_src>

<mosaic_0001>
#map = affine_map<(d0, d1) -> (0)>
#map1 = affine_map<(d0, d1) -> (0, 0, 0)>
module attributes {stable_mosaic.version = 14 : i64} {
  func.func @_sc_body(%arg0: i32, %arg1: i32, %arg2: memref<33554432xf32, #tpu.memory_space<hbm>>, %arg3: memref<262144xf32, #tpu.memory_space<hbm>>, %arg4: memref<262144xi32, #tpu.memory_space<hbm>>, %arg5: memref<16xi32, #tpu.memory_space<hbm>>, %arg6: memref<32x64x128xf32, #tpu.memory_space<hbm>>, %arg7: memref<8192xi32, #tpu.memory_space<vmem>>, %arg8: memref<8192xf32, #tpu.memory_space<vmem>>, %arg9: memref<16xi32, #tpu.memory_space<vmem>>, %arg10: memref<64x128xi32, #tpu.memory_space<vmem>>, %arg11: memref<64x128xf32, #tpu.memory_space<vmem>>, %arg12: memref<!tpu.dma_semaphore, #tpu.memory_space<semaphore_mem>>, %arg13: memref<!tpu.dma_semaphore, #tpu.memory_space<semaphore_mem>>) attributes {dimension_semantics = [#tpu.dimension_semantics<core_parallel>, #tpu.dimension_semantics<subcore_parallel>], iteration_bounds = array<i64: 2, 16>, scalar_prefetch = 0 : i64, scratch_operands = 7 : i64, tpu.core_type = #tpu.core_type<sc_vector_subcore>, window_params = [{transform_indices = #map}, {transform_indices = #map}, {transform_indices = #map}, {transform_indices = #map}, {transform_indices = #map1}]} {
    %mul3A = arith.constant 2 : i32
    %mul3A_0 = arith.muli %arg1, %mul3A : i32
    %add3A = arith.addi %mul3A_0, %arg0 : i32
    %mul3A_1 = arith.constant 8192 : i32
    %mul3A_2 = arith.muli %add3A, %mul3A_1 : i32
    "tpu.region"() ({
      %run_scoped3A = tpu.sem_alloc : memref<!tpu.dma_semaphore, #tpu.memory_space<semaphore_mem>>
      %dma_start3A_18 = tpu.memref_slice %arg4[%mul3A_2] : memref<262144xi32, #tpu.memory_space<hbm>> -> memref<8192xi32, #tpu.memory_space<hbm>>
      %dma_start3A_19 = tpu.memref_slice %arg4[%mul3A_2] : memref<262144xi32, #tpu.memory_space<hbm>> -> memref<8192xi32, #tpu.memory_space<hbm>>
      tpu.enqueue_dma source(%dma_start3A_19 : memref<8192xi32, #tpu.memory_space<hbm>>) target(%arg7 : memref<8192xi32, #tpu.memory_space<vmem>>) target_semaphore(%run_scoped3A : memref<!tpu.dma_semaphore, #tpu.memory_space<semaphore_mem>>)
      %dma_wait3A_20 = tpu.memref_slice %arg4[%mul3A_2] : memref<262144xi32, #tpu.memory_space<hbm>> -> memref<8192xi32, #tpu.memory_space<hbm>>
      %dma_wait3A_21 = tpu.memref_slice %arg4[%mul3A_2] : memref<262144xi32, #tpu.memory_space<hbm>> -> memref<8192xi32, #tpu.memory_space<hbm>>
      tpu.wait_dma2 semaphore(%run_scoped3A : memref<!tpu.dma_semaphore, #tpu.memory_space<semaphore_mem>>) src(%dma_wait3A_21 : memref<8192xi32, #tpu.memory_space<hbm>>) dst(%arg7 : memref<8192xi32, #tpu.memory_space<vmem>>)
      tpu.yield
    }) : () -> ()
    %dma_start3A = tpu.memref_slice %arg3[%mul3A_2] : memref<262144xf32, #tpu.memory_space<hbm>> -> memref<8192xf32, #tpu.memory_space<hbm>>
    %dma_start3A_3 = tpu.memref_slice %arg3[%mul3A_2] : memref<262144xf32, #tpu.memory_space<hbm>> -> memref<8192xf32, #tpu.memory_space<hbm>>
    tpu.enqueue_dma source(%dma_start3A_3 : memref<8192xf32, #tpu.memory_space<hbm>>) target(%arg8 : memref<8192xf32, #tpu.memory_space<vmem>>) target_semaphore(%arg13 : memref<!tpu.dma_semaphore, #tpu.memory_space<semaphore_mem>>)
    "tpu.region"() ({
      %run_scoped3A = tpu.sem_alloc : memref<!tpu.dma_semaphore, #tpu.memory_space<semaphore_mem>>
      tpu.enqueue_dma source(%arg5 : memref<16xi32, #tpu.memory_space<hbm>>) target(%arg9 : memref<16xi32, #tpu.memory_space<vmem>>) target_semaphore(%run_scoped3A : memref<!tpu.dma_semaphore, #tpu.memory_space<semaphore_mem>>)
      tpu.wait_dma2 semaphore(%run_scoped3A : memref<!tpu.dma_semaphore, #tpu.memory_space<semaphore_mem>>) src(%arg5 : memref<16xi32, #tpu.memory_space<hbm>>) dst(%arg9 : memref<16xi32, #tpu.memory_space<vmem>>)
      tpu.yield
    }) : () -> ()
    %get3A = arith.constant 0 : index
    %get3A_4 = tpu.vector_load %arg9[%get3A] {strides = array<i32>} : memref<16xi32, #tpu.memory_space<vmem>>, vector<16xi32>,
    %get3A_5 = vector.shape_cast %get3A_4 : vector<16xi32> to vector<16xi32>
    %iota3A = tpu.iota {dimensions = array<i32: 0>} : vector<16xi32>
    %scan3A = arith.constant 0 : i32
    %scan3A_6 = arith.constant 0 : i32
    %scan3A_7 = arith.constant 64 : i32
    %scan3A_8 = arith.addi %scan3A_6, %scan3A_7 : i32
    %scan3A_9 = arith.constant 1 : i32
    scf.for %scan3A_18 = %scan3A_6 to %scan3A_8 step %scan3A_9  : i32 {
      %shift_right_arithmetic3A = arith.constant 7 : i32
      %shift_right_arithmetic3A_19 = arith.shrsi %mul3A_2, %shift_right_arithmetic3A : i32
      %add3A_20 = arith.addi %shift_right_arithmetic3A_19, %scan3A_18 : i32
      %mul3A_21 = arith.constant 1024 : i32
      %mul3A_22 = arith.muli %add3A_20, %mul3A_21 : i32
      %mul3A_23 = arith.constant 128 : i32
      %mul3A_24 = arith.muli %scan3A_18, %mul3A_23 : i32
      %add3A_25 = arith.constant 0 : i32
      %add3A_26 = arith.addi %mul3A_24, %add3A_25 : i32
      %get3A_27 = arith.index_cast %add3A_26 : i32 to index
      %get3A_28 = tpu.vector_load %arg7[%get3A_27] {strides = array<i32>} : memref<8192xi32, #tpu.memory_space<vmem>>, vector<16xi32>,
      %get3A_29 = vector.shape_cast %get3A_28 : vector<16xi32> to vector<16xi32>
      %sub3A = arith.constant 128 : i32
      %sub3A_30 = vector.broadcast %sub3A : i32 to vector<16xi32>
      %sub3A_31 = arith.subi %sub3A_30, %get3A_29 : vector<16xi32>
      %add3A_32 = arith.addi %get3A_5, %sub3A_31 : vector<16xi32>
      %and3A = arith.constant 127 : i32
      %and3A_33 = vector.broadcast %and3A : i32 to vector<16xi32>
      %and3A_34 = arith.andi %add3A_32, %and3A_33 : vector<16xi32>
      %shift_right_arithmetic3A_35 = arith.constant 3 : i32
      %shift_right_arithmetic3A_36 = vector.broadcast %shift_right_arithmetic3A_35 : i32 to vector<16xi32>
      %shift_right_arithmetic3A_37 = arith.shrsi %and3A_34, %shift_right_arithmetic3A_36 : vector<16xi32>
      %mul3A_38 = arith.constant 2097152 : i32
      %mul3A_39 = vector.broadcast %mul3A_38 : i32 to vector<16xi32>
      %mul3A_40 = arith.muli %shift_right_arithmetic3A_37, %mul3A_39 : vector<16xi32>
      %and3A_41 = arith.constant 7 : i32
      %and3A_42 = vector.broadcast %and3A_41 : i32 to vector<16xi32>
      %and3A_43 = arith.andi %and3A_34, %and3A_42 : vector<16xi32>
      %mul3A_44 = arith.constant 128 : i32
      %mul3A_45 = vector.broadcast %mul3A_44 : i32 to vector<16xi32>
      %mul3A_46 = arith.muli %and3A_43, %mul3A_45 : vector<16xi32>
      %add3A_47 = arith.addi %mul3A_40, %mul3A_46 : vector<16xi32>
      %add3A_48 = arith.constant 0 : i32
      %add3A_49 = arith.addi %mul3A_22, %add3A_48 : i32
      %add3A_50 = vector.broadcast %add3A_49 : i32 to vector<16xi32>
      %add3A_51 = arith.addi %add3A_50, %iota3A : vector<16xi32>
      %add3A_52 = arith.addi %add3A_47, %add3A_51 : vector<16xi32>
      %swap3A = arith.index_cast %scan3A_18 : i32 to index
      %swap3A_53 = arith.constant 0 : index
      %swap3A_54 = tpu.vector_load %arg10[%swap3A, %swap3A_53] {strides = array<i32>} : memref<64x128xi32, #tpu.memory_space<vmem>>, vector<1x16xi32>,
      %swap3A_55 = vector.shape_cast %swap3A_54 : vector<1x16xi32> to vector<16xi32>
      %swap3A_56 = vector.shape_cast %add3A_52 : vector<16xi32> to vector<1x16xi32>
      tpu.vector_store %arg10[%swap3A, %swap3A_53], %swap3A_56 {strides = array<i32>} : memref<64x128xi32, #tpu.memory_space<vmem>>, vector<1x16xi32>,
      %mul3A_57 = arith.constant 128 : i32
      %mul3A_58 = arith.muli %scan3A_18, %mul3A_57 : i32
      %add3A_59 = arith.constant 16 : i32
      %add3A_60 = arith.addi %mul3A_58, %add3A_59 : i32
      %get3A_61 = arith.index_cast %add3A_60 : i32 to index
      %get3A_62 = tpu.vector_load %arg7[%get3A_61] {strides = array<i32>} : memref<8192xi32, #tpu.memory_space<vmem>>, vector<16xi32>,
      %get3A_63 = vector.shape_cast %get3A_62 : vector<16xi32> to vector<16xi32>
      %sub3A_64 = arith.constant 128 : i32
      %sub3A_65 = vector.broadcast %sub3A_64 : i32 to vector<16xi32>
      %sub3A_66 = arith.subi %sub3A_65, %get3A_63 : vector<16xi32>
      %add3A_67 = arith.addi %get3A_5, %sub3A_66 : vector<16xi32>
      %and3A_68 = arith.constant 127 : i32
      %and3A_69 = vector.broadcast %and3A_68 : i32 to vector<16xi32>
      %and3A_70 = arith.andi %add3A_67, %and3A_69 : vector<16xi32>
      %shift_right_arithmetic3A_71 = arith.constant 3 : i32
      %shift_right_arithmetic3A_72 = vector.broadcast %shift_right_arithmetic3A_71 : i32 to vector<16xi32>
      %shift_right_arithmetic3A_73 = arith.shrsi %and3A_70, %shift_right_arithmetic3A_72 : vector<16xi32>
      %mul3A_74 = arith.constant 2097152 : i32
      %mul3A_75 = vector.broadcast %mul3A_74 : i32 to vector<16xi32>
      %mul3A_76 = arith.muli %shift_right_arithmetic3A_73, %mul3A_75 : vector<16xi32>
      %and3A_77 = arith.constant 7 : i32
      %and3A_78 = vector.broadcast %and3A_77 : i32 to vector<16xi32>
      %and3A_79 = arith.andi %and3A_70, %and3A_78 : vector<16xi32>
      %mul3A_80 = arith.constant 128 : i32
      %mul3A_81 = vector.broadcast %mul3A_80 : i32 to vector<16xi32>
      %mul3A_82 = arith.muli %and3A_79, %mul3A_81 : vector<16xi32>
      %add3A_83 = arith.addi %mul3A_76, %mul3A_82 : vector<16xi32>
      %add3A_84 = arith.constant 16 : i32
      %add3A_85 = arith.addi %mul3A_22, %add3A_84 : i32
      %add3A_86 = vector.broadcast %add3A_85 : i32 to vector<16xi32>
      %add3A_87 = arith.addi %add3A_86, %iota3A : vector<16xi32>
      %add3A_88 = arith.addi %add3A_83, %add3A_87 : vector<16xi32>
      %swap3A_89 = arith.index_cast %scan3A_18 : i32 to index
      %swap3A_90 = arith.constant 16 : index
      %swap3A_91 = tpu.vector_load %arg10[%swap3A_89, %swap3A_90] {strides = array<i32>} : memref<64x128xi32, #tpu.memory_space<vmem>>, vector<1x16xi32>,
      %swap3A_92 = vector.shape_cast %swap3A_91 : vector<1x16xi32> to vector<16xi32>
      %swap3A_93 = vector.shape_cast %add3A_88 : vector<16xi32> to vector<1x16xi32>
      tpu.vector_store %arg10[%swap3A_89, %swap3A_90], %swap3A_93 {strides = array<i32>} : memref<64x128xi32, #tpu.memory_space<vmem>>, vector<1x16xi32>,
      %mul3A_94 = arith.constant 128 : i32
      %mul3A_95 = arith.muli %scan3A_18, %mul3A_94 : i32
      %add3A_96 = arith.constant 32 : i32
      %add3A_97 = arith.addi %mul3A_95, %add3A_96 : i32
      %get3A_98 = arith.index_cast %add3A_97 : i32 to index
      %get3A_99 = tpu.vector_load %arg7[%get3A_98] {strides = array<i32>} : memref<8192xi32, #tpu.memory_space<vmem>>, vector<16xi32>,
      %get3A_100 = vector.shape_cast %get3A_99 : vector<16xi32> to vector<16xi32>
      %sub3A_101 = arith.constant 128 : i32
      %sub3A_102 = vector.broadcast %sub3A_101 : i32 to vector<16xi32>
      %sub3A_103 = arith.subi %sub3A_102, %get3A_100 : vector<16xi32>
      %add3A_104 = arith.addi %get3A_5, %sub3A_103 : vector<16xi32>
      %and3A_105 = arith.constant 127 : i32
      %and3A_106 = vector.broadcast %and3A_105 : i32 to vector<16xi32>
      %and3A_107 = arith.andi %add3A_104, %and3A_106 : vector<16xi32>
      %shift_right_arithmetic3A_108 = arith.constant 3 : i32
      %shift_right_arithmetic3A_109 = vector.broadcast %shift_right_arithmetic3A_108 : i32 to vector<16xi32>
      %shift_right_arithmetic3A_110 = arith.shrsi %and3A_107, %shift_right_arithmetic3A_109 : vector<16xi32>
      %mul3A_111 = arith.constant 2097152 : i32
      %mul3A_112 = vector.broadcast %mul3A_111 : i32 to vector<16xi32>
      %mul3A_113 = arith.muli %shift_right_arithmetic3A_110, %mul3A_112 : vector<16xi32>
      %and3A_114 = arith.constant 7 : i32
      %and3A_115 = vector.broadcast %and3A_114 : i32 to vector<16xi32>
      %and3A_116 = arith.andi %and3A_107, %and3A_115 : vector<16xi32>
      %mul3A_117 = arith.constant 128 : i32
      %mul3A_118 = vector.broadcast %mul3A_117 : i32 to vector<16xi32>
      %mul3A_119 = arith.muli %and3A_116, %mul3A_118 : vector<16xi32>
      %add3A_120 = arith.addi %mul3A_113, %mul3A_119 : vector<16xi32>
      %add3A_121 = arith.constant 32 : i32
      %add3A_122 = arith.addi %mul3A_22, %add3A_121 : i32
      %add3A_123 = vector.broadcast %add3A_122 : i32 to vector<16xi32>
      %add3A_124 = arith.addi %add3A_123, %iota3A : vector<16xi32>
      %add3A_125 = arith.addi %add3A_120, %add3A_124 : vector<16xi32>
      %swap3A_126 = arith.index_cast %scan3A_18 : i32 to index
      %swap3A_127 = arith.constant 32 : index
      %swap3A_128 = tpu.vector_load %arg10[%swap3A_126, %swap3A_127] {strides = array<i32>} : memref<64x128xi32, #tpu.memory_space<vmem>>, vector<1x16xi32>,
      %swap3A_129 = vector.shape_cast %swap3A_128 : vector<1x16xi32> to vector<16xi32>
      %swap3A_130 = vector.shape_cast %add3A_125 : vector<16xi32> to vector<1x16xi32>
      tpu.vector_store %arg10[%swap3A_126, %swap3A_127], %swap3A_130 {strides = array<i32>} : memref<64x128xi32, #tpu.memory_space<vmem>>, vector<1x16xi32>,
      %mul3A_131 = arith.constant 128 : i32
      %mul3A_132 = arith.muli %scan3A_18, %mul3A_131 : i32
      %add3A_133 = arith.constant 48 : i32
      %add3A_134 = arith.addi %mul3A_132, %add3A_133 : i32
      %get3A_135 = arith.index_cast %add3A_134 : i32 to index
      %get3A_136 = tpu.vector_load %arg7[%get3A_135] {strides = array<i32>} : memref<8192xi32, #tpu.memory_space<vmem>>, vector<16xi32>,
      %get3A_137 = vector.shape_cast %get3A_136 : vector<16xi32> to vector<16xi32>
      %sub3A_138 = arith.constant 128 : i32
      %sub3A_139 = vector.broadcast %sub3A_138 : i32 to vector<16xi32>
      %sub3A_140 = arith.subi %sub3A_139, %get3A_137 : vector<16xi32>
      %add3A_141 = arith.addi %get3A_5, %sub3A_140 : vector<16xi32>
      %and3A_142 = arith.constant 127 : i32
      %and3A_143 = vector.broadcast %and3A_142 : i32 to vector<16xi32>
      %and3A_144 = arith.andi %add3A_141, %and3A_143 : vector<16xi32>
      %shift_right_arithmetic3A_145 = arith.constant 3 : i32
      %shift_right_arithmetic3A_146 = vector.broadcast %shift_right_arithmetic3A_145 : i32 to vector<16xi32>
      %shift_right_arithmetic3A_147 = arith.shrsi %and3A_144, %shift_right_arithmetic3A_146 : vector<16xi32>
      %mul3A_148 = arith.constant 2097152 : i32
      %mul3A_149 = vector.broadcast %mul3A_148 : i32 to vector<16xi32>
      %mul3A_150 = arith.muli %shift_right_arithmetic3A_147, %mul3A_149 : vector<16xi32>
      %and3A_151 = arith.constant 7 : i32
      %and3A_152 = vector.broadcast %and3A_151 : i32 to vector<16xi32>
      %and3A_153 = arith.andi %and3A_144, %and3A_152 : vector<16xi32>
      %mul3A_154 = arith.constant 128 : i32
      %mul3A_155 = vector.broadcast %mul3A_154 : i32 to vector<16xi32>
      %mul3A_156 = arith.muli %and3A_153, %mul3A_155 : vector<16xi32>
      %add3A_157 = arith.addi %mul3A_150, %mul3A_156 : vector<16xi32>
      %add3A_158 = arith.constant 48 : i32
      %add3A_159 = arith.addi %mul3A_22, %add3A_158 : i32
      %add3A_160 = vector.broadcast %add3A_159 : i32 to vector<16xi32>
      %add3A_161 = arith.addi %add3A_160, %iota3A : vector<16xi32>
      %add3A_162 = arith.addi %add3A_157, %add3A_161 : vector<16xi32>
      %swap3A_163 = arith.index_cast %scan3A_18 : i32 to index
      %swap3A_164 = arith.constant 48 : index
      %swap3A_165 = tpu.vector_load %arg10[%swap3A_163, %swap3A_164] {strides = array<i32>} : memref<64x128xi32, #tpu.memory_space<vmem>>, vector<1x16xi32>,
      %swap3A_166 = vector.shape_cast %swap3A_165 : vector<1x16xi32> to vector<16xi32>
      %swap3A_167 = vector.shape_cast %add3A_162 : vector<16xi32> to vector<1x16xi32>
      tpu.vector_store %arg10[%swap3A_163, %swap3A_164], %swap3A_167 {strides = array<i32>} : memref<64x128xi32, #tpu.memory_space<vmem>>, vector<1x16xi32>,
      %mul3A_168 = arith.constant 128 : i32
      %mul3A_169 = arith.muli %scan3A_18, %mul3A_168 : i32
      %add3A_170 = arith.constant 64 : i32
      %add3A_171 = arith.addi %mul3A_169, %add3A_170 : i32
      %get3A_172 = arith.index_cast %add3A_171 : i32 to index
      %get3A_173 = tpu.vector_load %arg7[%get3A_172] {strides = array<i32>} : memref<8192xi32, #tpu.memory_space<vmem>>, vector<16xi32>,
      %get3A_174 = vector.shape_cast %get3A_173 : vector<16xi32> to vector<16xi32>
      %sub3A_175 = arith.constant 128 : i32
      %sub3A_176 = vector.broadcast %sub3A_175 : i32 to vector<16xi32>
      %sub3A_177 = arith.subi %sub3A_176, %get3A_174 : vector<16xi32>
      %add3A_178 = arith.addi %get3A_5, %sub3A_177 : vector<16xi32>
      %and3A_179 = arith.constant 127 : i32
      %and3A_180 = vector.broadcast %and3A_179 : i32 to vector<16xi32>
      %and3A_181 = arith.andi %add3A_178, %and3A_180 : vector<16xi32>
      %shift_right_arithmetic3A_182 = arith.constant 3 : i32
      %shift_right_arithmetic3A_183 = vector.broadcast %shift_right_arithmetic3A_182 : i32 to vector<16xi32>
      %shift_right_arithmetic3A_184 = arith.shrsi %and3A_181, %shift_right_arithmetic3A_183 : vector<16xi32>
      %mul3A_185 = arith.constant 2097152 : i32
      %mul3A_186 = vector.broadcast %mul3A_185 : i32 to vector<16xi32>
      %mul3A_187 = arith.muli %shift_right_arithmetic3A_184, %mul3A_186 : vector<16xi32>
      %and3A_188 = arith.constant 7 : i32
      %and3A_189 = vector.broadcast %and3A_188 : i32 to vector<16xi32>
      %and3A_190 = arith.andi %and3A_181, %and3A_189 : vector<16xi32>
      %mul3A_191 = arith.constant 128 : i32
      %mul3A_192 = vector.broadcast %mul3A_191 : i32 to vector<16xi32>
      %mul3A_193 = arith.muli %and3A_190, %mul3A_192 : vector<16xi32>
      %add3A_194 = arith.addi %mul3A_187, %mul3A_193 : vector<16xi32>
      %add3A_195 = arith.constant 64 : i32
      %add3A_196 = arith.addi %mul3A_22, %add3A_195 : i32
      %add3A_197 = vector.broadcast %add3A_196 : i32 to vector<16xi32>
      %add3A_198 = arith.addi %add3A_197, %iota3A : vector<16xi32>
      %add3A_199 = arith.addi %add3A_194, %add3A_198 : vector<16xi32>
      %swap3A_200 = arith.index_cast %scan3A_18 : i32 to index
      %swap3A_201 = arith.constant 64 : index
      %swap3A_202 = tpu.vector_load %arg10[%swap3A_200, %swap3A_201] {strides = array<i32>} : memref<64x128xi32, #tpu.memory_space<vmem>>, vector<1x16xi32>,
      %swap3A_203 = vector.shape_cast %swap3A_202 : vector<1x16xi32> to vector<16xi32>
      %swap3A_204 = vector.shape_cast %add3A_199 : vector<16xi32> to vector<1x16xi32>
      tpu.vector_store %arg10[%swap3A_200, %swap3A_201], %swap3A_204 {strides = array<i32>} : memref<64x128xi32, #tpu.memory_space<vmem>>, vector<1x16xi32>,
      %mul3A_205 = arith.constant 128 : i32
      %mul3A_206 = arith.muli %scan3A_18, %mul3A_205 : i32
      %add3A_207 = arith.constant 80 : i32
      %add3A_208 = arith.addi %mul3A_206, %add3A_207 : i32
      %get3A_209 = arith.index_cast %add3A_208 : i32 to index
      %get3A_210 = tpu.vector_load %arg7[%get3A_209] {strides = array<i32>} : memref<8192xi32, #tpu.memory_space<vmem>>, vector<16xi32>,
      %get3A_211 = vector.shape_cast %get3A_210 : vector<16xi32> to vector<16xi32>
      %sub3A_212 = arith.constant 128 : i32
      %sub3A_213 = vector.broadcast %sub3A_212 : i32 to vector<16xi32>
      %sub3A_214 = arith.subi %sub3A_213, %get3A_211 : vector<16xi32>
      %add3A_215 = arith.addi %get3A_5, %sub3A_214 : vector<16xi32>
      %and3A_216 = arith.constant 127 : i32
      %and3A_217 = vector.broadcast %and3A_216 : i32 to vector<16xi32>
      %and3A_218 = arith.andi %add3A_215, %and3A_217 : vector<16xi32>
      %shift_right_arithmetic3A_219 = arith.constant 3 : i32
      %shift_right_arithmetic3A_220 = vector.broadcast %shift_right_arithmetic3A_219 : i32 to vector<16xi32>
      %shift_right_arithmetic3A_221 = arith.shrsi %and3A_218, %shift_right_arithmetic3A_220 : vector<16xi32>
      %mul3A_222 = arith.constant 2097152 : i32
      %mul3A_223 = vector.broadcast %mul3A_222 : i32 to vector<16xi32>
      %mul3A_224 = arith.muli %shift_right_arithmetic3A_221, %mul3A_223 : vector<16xi32>
      %and3A_225 = arith.constant 7 : i32
      %and3A_226 = vector.broadcast %and3A_225 : i32 to vector<16xi32>
      %and3A_227 = arith.andi %and3A_218, %and3A_226 : vector<16xi32>
      %mul3A_228 = arith.constant 128 : i32
      %mul3A_229 = vector.broadcast %mul3A_228 : i32 to vector<16xi32>
      %mul3A_230 = arith.muli %and3A_227, %mul3A_229 : vector<16xi32>
      %add3A_231 = arith.addi %mul3A_224, %mul3A_230 : vector<16xi32>
      %add3A_232 = arith.constant 80 : i32
      %add3A_233 = arith.addi %mul3A_22, %add3A_232 : i32
      %add3A_234 = vector.broadcast %add3A_233 : i32 to vector<16xi32>
      %add3A_235 = arith.addi %add3A_234, %iota3A : vector<16xi32>
      %add3A_236 = arith.addi %add3A_231, %add3A_235 : vector<16xi32>
      %swap3A_237 = arith.index_cast %scan3A_18 : i32 to index
      %swap3A_238 = arith.constant 80 : index
      %swap3A_239 = tpu.vector_load %arg10[%swap3A_237, %swap3A_238] {strides = array<i32>} : memref<64x128xi32, #tpu.memory_space<vmem>>, vector<1x16xi32>,
      %swap3A_240 = vector.shape_cast %swap3A_239 : vector<1x16xi32> to vector<16xi32>
      %swap3A_241 = vector.shape_cast %add3A_236 : vector<16xi32> to vector<1x16xi32>
      tpu.vector_store %arg10[%swap3A_237, %swap3A_238], %swap3A_241 {strides = array<i32>} : memref<64x128xi32, #tpu.memory_space<vmem>>, vector<1x16xi32>,
      %mul3A_242 = arith.constant 128 : i32
      %mul3A_243 = arith.muli %scan3A_18, %mul3A_242 : i32
      %add3A_244 = arith.constant 96 : i32
      %add3A_245 = arith.addi %mul3A_243, %add3A_244 : i32
      %get3A_246 = arith.index_cast %add3A_245 : i32 to index
      %get3A_247 = tpu.vector_load %arg7[%get3A_246] {strides = array<i32>} : memref<8192xi32, #tpu.memory_space<vmem>>, vector<16xi32>,
      %get3A_248 = vector.shape_cast %get3A_247 : vector<16xi32> to vector<16xi32>
      %sub3A_249 = arith.constant 128 : i32
      %sub3A_250 = vector.broadcast %sub3A_249 : i32 to vector<16xi32>
      %sub3A_251 = arith.subi %sub3A_250, %get3A_248 : vector<16xi32>
      %add3A_252 = arith.addi %get3A_5, %sub3A_251 : vector<16xi32>
      %and3A_253 = arith.constant 127 : i32
      %and3A_254 = vector.broadcast %and3A_253 : i32 to vector<16xi32>
      %and3A_255 = arith.andi %add3A_252, %and3A_254 : vector<16xi32>
      %shift_right_arithmetic3A_256 = arith.constant 3 : i32
      %shift_right_arithmetic3A_257 = vector.broadcast %shift_right_arithmetic3A_256 : i32 to vector<16xi32>
      %shift_right_arithmetic3A_258 = arith.shrsi %and3A_255, %shift_right_arithmetic3A_257 : vector<16xi32>
      %mul3A_259 = arith.constant 2097152 : i32
      %mul3A_260 = vector.broadcast %mul3A_259 : i32 to vector<16xi32>
      %mul3A_261 = arith.muli %shift_right_arithmetic3A_258, %mul3A_260 : vector<16xi32>
      %and3A_262 = arith.constant 7 : i32
      %and3A_263 = vector.broadcast %and3A_262 : i32 to vector<16xi32>
      %and3A_264 = arith.andi %and3A_255, %and3A_263 : vector<16xi32>
      %mul3A_265 = arith.constant 128 : i32
      %mul3A_266 = vector.broadcast %mul3A_265 : i32 to vector<16xi32>
      %mul3A_267 = arith.muli %and3A_264, %mul3A_266 : vector<16xi32>
      %add3A_268 = arith.addi %mul3A_261, %mul3A_267 : vector<16xi32>
      %add3A_269 = arith.constant 96 : i32
      %add3A_270 = arith.addi %mul3A_22, %add3A_269 : i32
      %add3A_271 = vector.broadcast %add3A_270 : i32 to vector<16xi32>
      %add3A_272 = arith.addi %add3A_271, %iota3A : vector<16xi32>
      %add3A_273 = arith.addi %add3A_268, %add3A_272 : vector<16xi32>
      %swap3A_274 = arith.index_cast %scan3A_18 : i32 to index
      %swap3A_275 = arith.constant 96 : index
      %swap3A_276 = tpu.vector_load %arg10[%swap3A_274, %swap3A_275] {strides = array<i32>} : memref<64x128xi32, #tpu.memory_space<vmem>>, vector<1x16xi32>,
      %swap3A_277 = vector.shape_cast %swap3A_276 : vector<1x16xi32> to vector<16xi32>
      %swap3A_278 = vector.shape_cast %add3A_273 : vector<16xi32> to vector<1x16xi32>
      tpu.vector_store %arg10[%swap3A_274, %swap3A_275], %swap3A_278 {strides = array<i32>} : memref<64x128xi32, #tpu.memory_space<vmem>>, vector<1x16xi32>,
      %mul3A_279 = arith.constant 128 : i32
      %mul3A_280 = arith.muli %scan3A_18, %mul3A_279 : i32
      %add3A_281 = arith.constant 112 : i32
      %add3A_282 = arith.addi %mul3A_280, %add3A_281 : i32
      %get3A_283 = arith.index_cast %add3A_282 : i32 to index
      %get3A_284 = tpu.vector_load %arg7[%get3A_283] {strides = array<i32>} : memref<8192xi32, #tpu.memory_space<vmem>>, vector<16xi32>,
      %get3A_285 = vector.shape_cast %get3A_284 : vector<16xi32> to vector<16xi32>
      %sub3A_286 = arith.constant 128 : i32
      %sub3A_287 = vector.broadcast %sub3A_286 : i32 to vector<16xi32>
      %sub3A_288 = arith.subi %sub3A_287, %get3A_285 : vector<16xi32>
      %add3A_289 = arith.addi %get3A_5, %sub3A_288 : vector<16xi32>
      %and3A_290 = arith.constant 127 : i32
      %and3A_291 = vector.broadcast %and3A_290 : i32 to vector<16xi32>
      %and3A_292 = arith.andi %add3A_289, %and3A_291 : vector<16xi32>
      %shift_right_arithmetic3A_293 = arith.constant 3 : i32
      %shift_right_arithmetic3A_294 = vector.broadcast %shift_right_arithmetic3A_293 : i32 to vector<16xi32>
      %shift_right_arithmetic3A_295 = arith.shrsi %and3A_292, %shift_right_arithmetic3A_294 : vector<16xi32>
      %mul3A_296 = arith.constant 2097152 : i32
      %mul3A_297 = vector.broadcast %mul3A_296 : i32 to vector<16xi32>
      %mul3A_298 = arith.muli %shift_right_arithmetic3A_295, %mul3A_297 : vector<16xi32>
      %and3A_299 = arith.constant 7 : i32
      %and3A_300 = vector.broadcast %and3A_299 : i32 to vector<16xi32>
      %and3A_301 = arith.andi %and3A_292, %and3A_300 : vector<16xi32>
      %mul3A_302 = arith.constant 128 : i32
      %mul3A_303 = vector.broadcast %mul3A_302 : i32 to vector<16xi32>
      %mul3A_304 = arith.muli %and3A_301, %mul3A_303 : vector<16xi32>
      %add3A_305 = arith.addi %mul3A_298, %mul3A_304 : vector<16xi32>
      %add3A_306 = arith.constant 112 : i32
      %add3A_307 = arith.addi %mul3A_22, %add3A_306 : i32
      %add3A_308 = vector.broadcast %add3A_307 : i32 to vector<16xi32>
      %add3A_309 = arith.addi %add3A_308, %iota3A : vector<16xi32>
      %add3A_310 = arith.addi %add3A_305, %add3A_309 : vector<16xi32>
      %swap3A_311 = arith.index_cast %scan3A_18 : i32 to index
      %swap3A_312 = arith.constant 112 : index
      %swap3A_313 = tpu.vector_load %arg10[%swap3A_311, %swap3A_312] {strides = array<i32>} : memref<64x128xi32, #tpu.memory_space<vmem>>, vector<1x16xi32>,
      %swap3A_314 = vector.shape_cast %swap3A_313 : vector<1x16xi32> to vector<16xi32>
      %swap3A_315 = vector.shape_cast %add3A_310 : vector<16xi32> to vector<1x16xi32>
      tpu.vector_store %arg10[%swap3A_311, %swap3A_312], %swap3A_315 {strides = array<i32>} : memref<64x128xi32, #tpu.memory_space<vmem>>, vector<1x16xi32>,
      %dma_start3A_316 = arith.constant 0 : i32
      %dma_start3A_317 = tpu.memref_slice %arg11[%scan3A_18, %dma_start3A_316] : memref<64x128xf32, #tpu.memory_space<vmem>> -> memref<1x128xf32, #tpu.memory_space<vmem>>
      %dma_start3A_318 = tpu.memref_squeeze %dma_start3A_317 : memref<1x128xf32, #tpu.memory_space<vmem>> -> memref<128xf32, #tpu.memory_space<vmem>>
      %dma_start3A_319 = arith.constant 0 : i32
      %dma_start3A_320 = tpu.memref_slice %arg10[%scan3A_18, %dma_start3A_319] : memref<64x128xi32, #tpu.memory_space<vmem>> -> memref<1x128xi32, #tpu.memory_space<vmem>>
      %dma_start3A_321 = tpu.memref_squeeze %dma_start3A_320 : memref<1x128xi32, #tpu.memory_space<vmem>> -> memref<128xi32, #tpu.memory_space<vmem>>
      %dma_start3A_322 = arith.constant 0 : i32
      %dma_start3A_323 = tpu.memref_slice %arg2[%dma_start3A_322] : memref<33554432xf32, #tpu.memory_space<hbm>> -> memref<33554432xf32, #tpu.memory_space<hbm>>
      tpu.enqueue_indirect_dma source(%dma_start3A_323 : memref<33554432xf32, #tpu.memory_space<hbm>>) target(%dma_start3A_318 : memref<128xf32, #tpu.memory_space<vmem>>) offsets(%dma_start3A_321 : memref<128xi32, #tpu.memory_space<vmem>>) semaphore(%arg12 : memref<!tpu.dma_semaphore, #tpu.memory_space<semaphore_mem>>)
    }
    %scan3A_10 = arith.constant 64 : i32
    %dma_wait3A = tpu.memref_slice %arg3[%mul3A_2] : memref<262144xf32, #tpu.memory_space<hbm>> -> memref<8192xf32, #tpu.memory_space<hbm>>
    %dma_wait3A_11 = tpu.memref_slice %arg3[%mul3A_2] : memref<262144xf32, #tpu.memory_space<hbm>> -> memref<8192xf32, #tpu.memory_space<hbm>>
    tpu.wait_dma2 semaphore(%arg13 : memref<!tpu.dma_semaphore, #tpu.memory_space<semaphore_mem>>) src(%dma_wait3A_11 : memref<8192xf32, #tpu.memory_space<hbm>>) dst(%arg8 : memref<8192xf32, #tpu.memory_space<vmem>>)
    %scan3A_12 = arith.constant 0 : i32
    %scan3A_13 = arith.constant 0 : i32
    %scan3A_14 = arith.constant 32 : i32
    %scan3A_15 = arith.addi %scan3A_13, %scan3A_14 : i32
    %scan3A_16 = arith.constant 1 : i32
    scf.for %scan3A_18 = %scan3A_13 to %scan3A_15 step %scan3A_16  : i32 {
      %mul3A_19 = arith.constant 2 : i32
      %mul3A_20 = arith.muli %scan3A_18, %mul3A_19 : i32
      %add3A_21 = arith.constant 0 : i32
      %add3A_22 = arith.addi %mul3A_20, %add3A_21 : i32
      %dma_wait3A_23 = arith.constant 0 : i32
      %dma_wait3A_24 = tpu.memref_slice %arg11[%add3A_22, %dma_wait3A_23] : memref<64x128xf32, #tpu.memory_space<vmem>> -> memref<1x128xf32, #tpu.memory_space<vmem>>
      %dma_wait3A_25 = tpu.memref_squeeze %dma_wait3A_24 : memref<1x128xf32, #tpu.memory_space<vmem>> -> memref<128xf32, #tpu.memory_space<vmem>>
      %dma_wait3A_26 = arith.constant 0 : i32
      %dma_wait3A_27 = tpu.memref_slice %arg10[%add3A_22, %dma_wait3A_26] : memref<64x128xi32, #tpu.memory_space<vmem>> -> memref<1x128xi32, #tpu.memory_space<vmem>>
      %dma_wait3A_28 = tpu.memref_squeeze %dma_wait3A_27 : memref<1x128xi32, #tpu.memory_space<vmem>> -> memref<128xi32, #tpu.memory_space<vmem>>
      %dma_wait3A_29 = arith.constant 0 : i32
      %dma_wait3A_30 = tpu.memref_slice %arg2[%dma_wait3A_29] : memref<33554432xf32, #tpu.memory_space<hbm>> -> memref<33554432xf32, #tpu.memory_space<hbm>>
      tpu.wait_indirect_dma semaphore(%arg12 : memref<!tpu.dma_semaphore, #tpu.memory_space<semaphore_mem>>) src(%dma_wait3A_30 : memref<33554432xf32, #tpu.memory_space<hbm>>) dst(%dma_wait3A_25 : memref<128xf32, #tpu.memory_space<vmem>>)
      %mul3A_31 = arith.constant 128 : i32
      %mul3A_32 = arith.muli %add3A_22, %mul3A_31 : i32
      %add3A_33 = arith.constant 0 : i32
      %add3A_34 = arith.addi %mul3A_32, %add3A_33 : i32
      %get3A_35 = arith.index_cast %add3A_34 : i32 to index
      %get3A_36 = tpu.vector_load %arg7[%get3A_35] {strides = array<i32>} : memref<8192xi32, #tpu.memory_space<vmem>>, vector<16xi32>,
      %get3A_37 = vector.shape_cast %get3A_36 : vector<16xi32> to vector<16xi32>
      %get3A_38 = arith.index_cast %add3A_22 : i32 to index
      %get3A_39 = arith.constant 0 : index
      %get3A_40 = tpu.vector_load %arg11[%get3A_38, %get3A_39] {strides = array<i32>} : memref<64x128xf32, #tpu.memory_space<vmem>>, vector<1x16xf32>,
      %get3A_41 = vector.shape_cast %get3A_40 : vector<1x16xf32> to vector<16xf32>
      %get3A_42 = arith.index_cast %add3A_34 : i32 to index
      %get3A_43 = tpu.vector_load %arg8[%get3A_42] {strides = array<i32>} : memref<8192xf32, #tpu.memory_space<vmem>>, vector<16xf32>,
      %get3A_44 = vector.shape_cast %get3A_43 : vector<16xf32> to vector<16xf32>
      %eq3A = arith.constant 0 : i32
      %eq3A_45 = vector.broadcast %eq3A : i32 to vector<16xi32>
      %eq3A_46 = arith.cmpi eq, %get3A_37, %eq3A_45 : vector<16xi32>
      %select_n3A = arith.select %eq3A_46, %get3A_44, %get3A_41 : vector<16xi1>, vector<16xf32>
      %swap3A = arith.index_cast %add3A_22 : i32 to index
      %swap3A_47 = arith.constant 0 : index
      %swap3A_48 = tpu.vector_load %arg11[%swap3A, %swap3A_47] {strides = array<i32>} : memref<64x128xf32, #tpu.memory_space<vmem>>, vector<1x16xf32>,
      %swap3A_49 = vector.shape_cast %swap3A_48 : vector<1x16xf32> to vector<16xf32>
      %swap3A_50 = vector.shape_cast %select_n3A : vector<16xf32> to vector<1x16xf32>
      tpu.vector_store %arg11[%swap3A, %swap3A_47], %swap3A_50 {strides = array<i32>} : memref<64x128xf32, #tpu.memory_space<vmem>>, vector<1x16xf32>,
      %mul3A_51 = arith.constant 128 : i32
      %mul3A_52 = arith.muli %add3A_22, %mul3A_51 : i32
      %add3A_53 = arith.constant 16 : i32
      %add3A_54 = arith.addi %mul3A_52, %add3A_53 : i32
      %get3A_55 = arith.index_cast %add3A_54 : i32 to index
      %get3A_56 = tpu.vector_load %arg7[%get3A_55] {strides = array<i32>} : memref<8192xi32, #tpu.memory_space<vmem>>, vector<16xi32>,
      %get3A_57 = vector.shape_cast %get3A_56 : vector<16xi32> to vector<16xi32>
      %get3A_58 = arith.index_cast %add3A_22 : i32 to index
      %get3A_59 = arith.constant 16 : index
      %get3A_60 = tpu.vector_load %arg11[%get3A_58, %get3A_59] {strides = array<i32>} : memref<64x128xf32, #tpu.memory_space<vmem>>, vector<1x16xf32>,
      %get3A_61 = vector.shape_cast %get3A_60 : vector<1x16xf32> to vector<16xf32>
      %get3A_62 = arith.index_cast %add3A_54 : i32 to index
      %get3A_63 = tpu.vector_load %arg8[%get3A_62] {strides = array<i32>} : memref<8192xf32, #tpu.memory_space<vmem>>, vector<16xf32>,
      %get3A_64 = vector.shape_cast %get3A_63 : vector<16xf32> to vector<16xf32>
      %eq3A_65 = arith.constant 0 : i32
      %eq3A_66 = vector.broadcast %eq3A_65 : i32 to vector<16xi32>
      %eq3A_67 = arith.cmpi eq, %get3A_57, %eq3A_66 : vector<16xi32>
      %select_n3A_68 = arith.select %eq3A_67, %get3A_64, %get3A_61 : vector<16xi1>, vector<16xf32>
      %swap3A_69 = arith.index_cast %add3A_22 : i32 to index
      %swap3A_70 = arith.constant 16 : index
      %swap3A_71 = tpu.vector_load %arg11[%swap3A_69, %swap3A_70] {strides = array<i32>} : memref<64x128xf32, #tpu.memory_space<vmem>>, vector<1x16xf32>,
      %swap3A_72 = vector.shape_cast %swap3A_71 : vector<1x16xf32> to vector<16xf32>
      %swap3A_73 = vector.shape_cast %select_n3A_68 : vector<16xf32> to vector<1x16xf32>
      tpu.vector_store %arg11[%swap3A_69, %swap3A_70], %swap3A_73 {strides = array<i32>} : memref<64x128xf32, #tpu.memory_space<vmem>>, vector<1x16xf32>,
      %mul3A_74 = arith.constant 128 : i32
      %mul3A_75 = arith.muli %add3A_22, %mul3A_74 : i32
      %add3A_76 = arith.constant 32 : i32
      %add3A_77 = arith.addi %mul3A_75, %add3A_76 : i32
      %get3A_78 = arith.index_cast %add3A_77 : i32 to index
      %get3A_79 = tpu.vector_load %arg7[%get3A_78] {strides = array<i32>} : memref<8192xi32, #tpu.memory_space<vmem>>, vector<16xi32>,
      %get3A_80 = vector.shape_cast %get3A_79 : vector<16xi32> to vector<16xi32>
      %get3A_81 = arith.index_cast %add3A_22 : i32 to index
      %get3A_82 = arith.constant 32 : index
      %get3A_83 = tpu.vector_load %arg11[%get3A_81, %get3A_82] {strides = array<i32>} : memref<64x128xf32, #tpu.memory_space<vmem>>, vector<1x16xf32>,
      %get3A_84 = vector.shape_cast %get3A_83 : vector<1x16xf32> to vector<16xf32>
      %get3A_85 = arith.index_cast %add3A_77 : i32 to index
      %get3A_86 = tpu.vector_load %arg8[%get3A_85] {strides = array<i32>} : memref<8192xf32, #tpu.memory_space<vmem>>, vector<16xf32>,
      %get3A_87 = vector.shape_cast %get3A_86 : vector<16xf32> to vector<16xf32>
      %eq3A_88 = arith.constant 0 : i32
      %eq3A_89 = vector.broadcast %eq3A_88 : i32 to vector<16xi32>
      %eq3A_90 = arith.cmpi eq, %get3A_80, %eq3A_89 : vector<16xi32>
      %select_n3A_91 = arith.select %eq3A_90, %get3A_87, %get3A_84 : vector<16xi1>, vector<16xf32>
      %swap3A_92 = arith.index_cast %add3A_22 : i32 to index
      %swap3A_93 = arith.constant 32 : index
      %swap3A_94 = tpu.vector_load %arg11[%swap3A_92, %swap3A_93] {strides = array<i32>} : memref<64x128xf32, #tpu.memory_space<vmem>>, vector<1x16xf32>,
      %swap3A_95 = vector.shape_cast %swap3A_94 : vector<1x16xf32> to vector<16xf32>
      %swap3A_96 = vector.shape_cast %select_n3A_91 : vector<16xf32> to vector<1x16xf32>
      tpu.vector_store %arg11[%swap3A_92, %swap3A_93], %swap3A_96 {strides = array<i32>} : memref<64x128xf32, #tpu.memory_space<vmem>>, vector<1x16xf32>,
      %mul3A_97 = arith.constant 128 : i32
      %mul3A_98 = arith.muli %add3A_22, %mul3A_97 : i32
      %add3A_99 = arith.constant 48 : i32
      %add3A_100 = arith.addi %mul3A_98, %add3A_99 : i32
      %get3A_101 = arith.index_cast %add3A_100 : i32 to index
      %get3A_102 = tpu.vector_load %arg7[%get3A_101] {strides = array<i32>} : memref<8192xi32, #tpu.memory_space<vmem>>, vector<16xi32>,
      %get3A_103 = vector.shape_cast %get3A_102 : vector<16xi32> to vector<16xi32>
      %get3A_104 = arith.index_cast %add3A_22 : i32 to index
      %get3A_105 = arith.constant 48 : index
      %get3A_106 = tpu.vector_load %arg11[%get3A_104, %get3A_105] {strides = array<i32>} : memref<64x128xf32, #tpu.memory_space<vmem>>, vector<1x16xf32>,
      %get3A_107 = vector.shape_cast %get3A_106 : vector<1x16xf32> to vector<16xf32>
      %get3A_108 = arith.index_cast %add3A_100 : i32 to index
      %get3A_109 = tpu.vector_load %arg8[%get3A_108] {strides = array<i32>} : memref<8192xf32, #tpu.memory_space<vmem>>, vector<16xf32>,
      %get3A_110 = vector.shape_cast %get3A_109 : vector<16xf32> to vector<16xf32>
      %eq3A_111 = arith.constant 0 : i32
      %eq3A_112 = vector.broadcast %eq3A_111 : i32 to vector<16xi32>
      %eq3A_113 = arith.cmpi eq, %get3A_103, %eq3A_112 : vector<16xi32>
      %select_n3A_114 = arith.select %eq3A_113, %get3A_110, %get3A_107 : vector<16xi1>, vector<16xf32>
      %swap3A_115 = arith.index_cast %add3A_22 : i32 to index
      %swap3A_116 = arith.constant 48 : index
      %swap3A_117 = tpu.vector_load %arg11[%swap3A_115, %swap3A_116] {strides = array<i32>} : memref<64x128xf32, #tpu.memory_space<vmem>>, vector<1x16xf32>,
      %swap3A_118 = vector.shape_cast %swap3A_117 : vector<1x16xf32> to vector<16xf32>
      %swap3A_119 = vector.shape_cast %select_n3A_114 : vector<16xf32> to vector<1x16xf32>
      tpu.vector_store %arg11[%swap3A_115, %swap3A_116], %swap3A_119 {strides = array<i32>} : memref<64x128xf32, #tpu.memory_space<vmem>>, vector<1x16xf32>,
      %mul3A_120 = arith.constant 128 : i32
      %mul3A_121 = arith.muli %add3A_22, %mul3A_120 : i32
      %add3A_122 = arith.constant 64 : i32
      %add3A_123 = arith.addi %mul3A_121, %add3A_122 : i32
      %get3A_124 = arith.index_cast %add3A_123 : i32 to index
      %get3A_125 = tpu.vector_load %arg7[%get3A_124] {strides = array<i32>} : memref<8192xi32, #tpu.memory_space<vmem>>, vector<16xi32>,
      %get3A_126 = vector.shape_cast %get3A_125 : vector<16xi32> to vector<16xi32>
      %get3A_127 = arith.index_cast %add3A_22 : i32 to index
      %get3A_128 = arith.constant 64 : index
      %get3A_129 = tpu.vector_load %arg11[%get3A_127, %get3A_128] {strides = array<i32>} : memref<64x128xf32, #tpu.memory_space<vmem>>, vector<1x16xf32>,
      %get3A_130 = vector.shape_cast %get3A_129 : vector<1x16xf32> to vector<16xf32>
      %get3A_131 = arith.index_cast %add3A_123 : i32 to index
      %get3A_132 = tpu.vector_load %arg8[%get3A_131] {strides = array<i32>} : memref<8192xf32, #tpu.memory_space<vmem>>, vector<16xf32>,
      %get3A_133 = vector.shape_cast %get3A_132 : vector<16xf32> to vector<16xf32>
      %eq3A_134 = arith.constant 0 : i32
      %eq3A_135 = vector.broadcast %eq3A_134 : i32 to vector<16xi32>
      %eq3A_136 = arith.cmpi eq, %get3A_126, %eq3A_135 : vector<16xi32>
      %select_n3A_137 = arith.select %eq3A_136, %get3A_133, %get3A_130 : vector<16xi1>, vector<16xf32>
      %swap3A_138 = arith.index_cast %add3A_22 : i32 to index
      %swap3A_139 = arith.constant 64 : index
      %swap3A_140 = tpu.vector_load %arg11[%swap3A_138, %swap3A_139] {strides = array<i32>} : memref<64x128xf32, #tpu.memory_space<vmem>>, vector<1x16xf32>,
      %swap3A_141 = vector.shape_cast %swap3A_140 : vector<1x16xf32> to vector<16xf32>
      %swap3A_142 = vector.shape_cast %select_n3A_137 : vector<16xf32> to vector<1x16xf32>
      tpu.vector_store %arg11[%swap3A_138, %swap3A_139], %swap3A_142 {strides = array<i32>} : memref<64x128xf32, #tpu.memory_space<vmem>>, vector<1x16xf32>,
      %mul3A_143 = arith.constant 128 : i32
      %mul3A_144 = arith.muli %add3A_22, %mul3A_143 : i32
      %add3A_145 = arith.constant 80 : i32
      %add3A_146 = arith.addi %mul3A_144, %add3A_145 : i32
      %get3A_147 = arith.index_cast %add3A_146 : i32 to index
      %get3A_148 = tpu.vector_load %arg7[%get3A_147] {strides = array<i32>} : memref<8192xi32, #tpu.memory_space<vmem>>, vector<16xi32>,
      %get3A_149 = vector.shape_cast %get3A_148 : vector<16xi32> to vector<16xi32>
      %get3A_150 = arith.index_cast %add3A_22 : i32 to index
      %get3A_151 = arith.constant 80 : index
      %get3A_152 = tpu.vector_load %arg11[%get3A_150, %get3A_151] {strides = array<i32>} : memref<64x128xf32, #tpu.memory_space<vmem>>, vector<1x16xf32>,
      %get3A_153 = vector.shape_cast %get3A_152 : vector<1x16xf32> to vector<16xf32>
      %get3A_154 = arith.index_cast %add3A_146 : i32 to index
      %get3A_155 = tpu.vector_load %arg8[%get3A_154] {strides = array<i32>} : memref<8192xf32, #tpu.memory_space<vmem>>, vector<16xf32>,
      %get3A_156 = vector.shape_cast %get3A_155 : vector<16xf32> to vector<16xf32>
      %eq3A_157 = arith.constant 0 : i32
      %eq3A_158 = vector.broadcast %eq3A_157 : i32 to vector<16xi32>
      %eq3A_159 = arith.cmpi eq, %get3A_149, %eq3A_158 : vector<16xi32>
      %select_n3A_160 = arith.select %eq3A_159, %get3A_156, %get3A_153 : vector<16xi1>, vector<16xf32>
      %swap3A_161 = arith.index_cast %add3A_22 : i32 to index
      %swap3A_162 = arith.constant 80 : index
      %swap3A_163 = tpu.vector_load %arg11[%swap3A_161, %swap3A_162] {strides = array<i32>} : memref<64x128xf32, #tpu.memory_space<vmem>>, vector<1x16xf32>,
      %swap3A_164 = vector.shape_cast %swap3A_163 : vector<1x16xf32> to vector<16xf32>
      %swap3A_165 = vector.shape_cast %select_n3A_160 : vector<16xf32> to vector<1x16xf32>
      tpu.vector_store %arg11[%swap3A_161, %swap3A_162], %swap3A_165 {strides = array<i32>} : memref<64x128xf32, #tpu.memory_space<vmem>>, vector<1x16xf32>,
      %mul3A_166 = arith.constant 128 : i32
      %mul3A_167 = arith.muli %add3A_22, %mul3A_166 : i32
      %add3A_168 = arith.constant 96 : i32
      %add3A_169 = arith.addi %mul3A_167, %add3A_168 : i32
      %get3A_170 = arith.index_cast %add3A_169 : i32 to index
      %get3A_171 = tpu.vector_load %arg7[%get3A_170] {strides = array<i32>} : memref<8192xi32, #tpu.memory_space<vmem>>, vector<16xi32>,
      %get3A_172 = vector.shape_cast %get3A_171 : vector<16xi32> to vector<16xi32>
      %get3A_173 = arith.index_cast %add3A_22 : i32 to index
      %get3A_174 = arith.constant 96 : index
      %get3A_175 = tpu.vector_load %arg11[%get3A_173, %get3A_174] {strides = array<i32>} : memref<64x128xf32, #tpu.memory_space<vmem>>, vector<1x16xf32>,
      %get3A_176 = vector.shape_cast %get3A_175 : vector<1x16xf32> to vector<16xf32>
      %get3A_177 = arith.index_cast %add3A_169 : i32 to index
      %get3A_178 = tpu.vector_load %arg8[%get3A_177] {strides = array<i32>} : memref<8192xf32, #tpu.memory_space<vmem>>, vector<16xf32>,
      %get3A_179 = vector.shape_cast %get3A_178 : vector<16xf32> to vector<16xf32>
      %eq3A_180 = arith.constant 0 : i32
      %eq3A_181 = vector.broadcast %eq3A_180 : i32 to vector<16xi32>
      %eq3A_182 = arith.cmpi eq, %get3A_172, %eq3A_181 : vector<16xi32>
      %select_n3A_183 = arith.select %eq3A_182, %get3A_179, %get3A_176 : vector<16xi1>, vector<16xf32>
      %swap3A_184 = arith.index_cast %add3A_22 : i32 to index
      %swap3A_185 = arith.constant 96 : index
      %swap3A_186 = tpu.vector_load %arg11[%swap3A_184, %swap3A_185] {strides = array<i32>} : memref<64x128xf32, #tpu.memory_space<vmem>>, vector<1x16xf32>,
      %swap3A_187 = vector.shape_cast %swap3A_186 : vector<1x16xf32> to vector<16xf32>
      %swap3A_188 = vector.shape_cast %select_n3A_183 : vector<16xf32> to vector<1x16xf32>
      tpu.vector_store %arg11[%swap3A_184, %swap3A_185], %swap3A_188 {strides = array<i32>} : memref<64x128xf32, #tpu.memory_space<vmem>>, vector<1x16xf32>,
      %mul3A_189 = arith.constant 128 : i32
      %mul3A_190 = arith.muli %add3A_22, %mul3A_189 : i32
      %add3A_191 = arith.constant 112 : i32
      %add3A_192 = arith.addi %mul3A_190, %add3A_191 : i32
      %get3A_193 = arith.index_cast %add3A_192 : i32 to index
      %get3A_194 = tpu.vector_load %arg7[%get3A_193] {strides = array<i32>} : memref<8192xi32, #tpu.memory_space<vmem>>, vector<16xi32>,
      %get3A_195 = vector.shape_cast %get3A_194 : vector<16xi32> to vector<16xi32>
      %get3A_196 = arith.index_cast %add3A_22 : i32 to index
      %get3A_197 = arith.constant 112 : index
      %get3A_198 = tpu.vector_load %arg11[%get3A_196, %get3A_197] {strides = array<i32>} : memref<64x128xf32, #tpu.memory_space<vmem>>, vector<1x16xf32>,
      %get3A_199 = vector.shape_cast %get3A_198 : vector<1x16xf32> to vector<16xf32>
      %get3A_200 = arith.index_cast %add3A_192 : i32 to index
      %get3A_201 = tpu.vector_load %arg8[%get3A_200] {strides = array<i32>} : memref<8192xf32, #tpu.memory_space<vmem>>, vector<16xf32>,
      %get3A_202 = vector.shape_cast %get3A_201 : vector<16xf32> to vector<16xf32>
      %eq3A_203 = arith.constant 0 : i32
      %eq3A_204 = vector.broadcast %eq3A_203 : i32 to vector<16xi32>
      %eq3A_205 = arith.cmpi eq, %get3A_195, %eq3A_204 : vector<16xi32>
      %select_n3A_206 = arith.select %eq3A_205, %get3A_202, %get3A_199 : vector<16xi1>, vector<16xf32>
      %swap3A_207 = arith.index_cast %add3A_22 : i32 to index
      %swap3A_208 = arith.constant 112 : index
      %swap3A_209 = tpu.vector_load %arg11[%swap3A_207, %swap3A_208] {strides = array<i32>} : memref<64x128xf32, #tpu.memory_space<vmem>>, vector<1x16xf32>,
      %swap3A_210 = vector.shape_cast %swap3A_209 : vector<1x16xf32> to vector<16xf32>
      %swap3A_211 = vector.shape_cast %select_n3A_206 : vector<16xf32> to vector<1x16xf32>
      tpu.vector_store %arg11[%swap3A_207, %swap3A_208], %swap3A_211 {strides = array<i32>} : memref<64x128xf32, #tpu.memory_space<vmem>>, vector<1x16xf32>,
      %mul3A_212 = arith.constant 2 : i32
      %mul3A_213 = arith.muli %scan3A_18, %mul3A_212 : i32
      %add3A_214 = arith.constant 1 : i32
      %add3A_215 = arith.addi %mul3A_213, %add3A_214 : i32
      %dma_wait3A_216 = arith.constant 0 : i32
      %dma_wait3A_217 = tpu.memref_slice %arg11[%add3A_215, %dma_wait3A_216] : memref<64x128xf32, #tpu.memory_space<vmem>> -> memref<1x128xf32, #tpu.memory_space<vmem>>
      %dma_wait3A_218 = tpu.memref_squeeze %dma_wait3A_217 : memref<1x128xf32, #tpu.memory_space<vmem>> -> memref<128xf32, #tpu.memory_space<vmem>>
      %dma_wait3A_219 = arith.constant 0 : i32
      %dma_wait3A_220 = tpu.memref_slice %arg10[%add3A_215, %dma_wait3A_219] : memref<64x128xi32, #tpu.memory_space<vmem>> -> memref<1x128xi32, #tpu.memory_space<vmem>>
      %dma_wait3A_221 = tpu.memref_squeeze %dma_wait3A_220 : memref<1x128xi32, #tpu.memory_space<vmem>> -> memref<128xi32, #tpu.memory_space<vmem>>
      %dma_wait3A_222 = arith.constant 0 : i32
      %dma_wait3A_223 = tpu.memref_slice %arg2[%dma_wait3A_222] : memref<33554432xf32, #tpu.memory_space<hbm>> -> memref<33554432xf32, #tpu.memory_space<hbm>>
      tpu.wait_indirect_dma semaphore(%arg12 : memref<!tpu.dma_semaphore, #tpu.memory_space<semaphore_mem>>) src(%dma_wait3A_223 : memref<33554432xf32, #tpu.memory_space<hbm>>) dst(%dma_wait3A_218 : memref<128xf32, #tpu.memory_space<vmem>>)
      %mul3A_224 = arith.constant 128 : i32
      %mul3A_225 = arith.muli %add3A_215, %mul3A_224 : i32
      %add3A_226 = arith.constant 0 : i32
      %add3A_227 = arith.addi %mul3A_225, %add3A_226 : i32
      %get3A_228 = arith.index_cast %add3A_227 : i32 to index
      %get3A_229 = tpu.vector_load %arg7[%get3A_228] {strides = array<i32>} : memref<8192xi32, #tpu.memory_space<vmem>>, vector<16xi32>,
      %get3A_230 = vector.shape_cast %get3A_229 : vector<16xi32> to vector<16xi32>
      %get3A_231 = arith.index_cast %add3A_215 : i32 to index
      %get3A_232 = arith.constant 0 : index
      %get3A_233 = tpu.vector_load %arg11[%get3A_231, %get3A_232] {strides = array<i32>} : memref<64x128xf32, #tpu.memory_space<vmem>>, vector<1x16xf32>,
      %get3A_234 = vector.shape_cast %get3A_233 : vector<1x16xf32> to vector<16xf32>
      %get3A_235 = arith.index_cast %add3A_227 : i32 to index
      %get3A_236 = tpu.vector_load %arg8[%get3A_235] {strides = array<i32>} : memref<8192xf32, #tpu.memory_space<vmem>>, vector<16xf32>,
      %get3A_237 = vector.shape_cast %get3A_236 : vector<16xf32> to vector<16xf32>
      %eq3A_238 = arith.constant 0 : i32
      %eq3A_239 = vector.broadcast %eq3A_238 : i32 to vector<16xi32>
      %eq3A_240 = arith.cmpi eq, %get3A_230, %eq3A_239 : vector<16xi32>
      %select_n3A_241 = arith.select %eq3A_240, %get3A_237, %get3A_234 : vector<16xi1>, vector<16xf32>
      %swap3A_242 = arith.index_cast %add3A_215 : i32 to index
      %swap3A_243 = arith.constant 0 : index
      %swap3A_244 = tpu.vector_load %arg11[%swap3A_242, %swap3A_243] {strides = array<i32>} : memref<64x128xf32, #tpu.memory_space<vmem>>, vector<1x16xf32>,
      %swap3A_245 = vector.shape_cast %swap3A_244 : vector<1x16xf32> to vector<16xf32>
      %swap3A_246 = vector.shape_cast %select_n3A_241 : vector<16xf32> to vector<1x16xf32>
      tpu.vector_store %arg11[%swap3A_242, %swap3A_243], %swap3A_246 {strides = array<i32>} : memref<64x128xf32, #tpu.memory_space<vmem>>, vector<1x16xf32>,
      %mul3A_247 = arith.constant 128 : i32
      %mul3A_248 = arith.muli %add3A_215, %mul3A_247 : i32
      %add3A_249 = arith.constant 16 : i32
      %add3A_250 = arith.addi %mul3A_248, %add3A_249 : i32
      %get3A_251 = arith.index_cast %add3A_250 : i32 to index
      %get3A_252 = tpu.vector_load %arg7[%get3A_251] {strides = array<i32>} : memref<8192xi32, #tpu.memory_space<vmem>>, vector<16xi32>,
      %get3A_253 = vector.shape_cast %get3A_252 : vector<16xi32> to vector<16xi32>
      %get3A_254 = arith.index_cast %add3A_215 : i32 to index
      %get3A_255 = arith.constant 16 : index
      %get3A_256 = tpu.vector_load %arg11[%get3A_254, %get3A_255] {strides = array<i32>} : memref<64x128xf32, #tpu.memory_space<vmem>>, vector<1x16xf32>,
      %get3A_257 = vector.shape_cast %get3A_256 : vector<1x16xf32> to vector<16xf32>
      %get3A_258 = arith.index_cast %add3A_250 : i32 to index
      %get3A_259 = tpu.vector_load %arg8[%get3A_258] {strides = array<i32>} : memref<8192xf32, #tpu.memory_space<vmem>>, vector<16xf32>,
      %get3A_260 = vector.shape_cast %get3A_259 : vector<16xf32> to vector<16xf32>
      %eq3A_261 = arith.constant 0 : i32
      %eq3A_262 = vector.broadcast %eq3A_261 : i32 to vector<16xi32>
      %eq3A_263 = arith.cmpi eq, %get3A_253, %eq3A_262 : vector<16xi32>
      %select_n3A_264 = arith.select %eq3A_263, %get3A_260, %get3A_257 : vector<16xi1>, vector<16xf32>
      %swap3A_265 = arith.index_cast %add3A_215 : i32 to index
      %swap3A_266 = arith.constant 16 : index
      %swap3A_267 = tpu.vector_load %arg11[%swap3A_265, %swap3A_266] {strides = array<i32>} : memref<64x128xf32, #tpu.memory_space<vmem>>, vector<1x16xf32>,
      %swap3A_268 = vector.shape_cast %swap3A_267 : vector<1x16xf32> to vector<16xf32>
      %swap3A_269 = vector.shape_cast %select_n3A_264 : vector<16xf32> to vector<1x16xf32>
      tpu.vector_store %arg11[%swap3A_265, %swap3A_266], %swap3A_269 {strides = array<i32>} : memref<64x128xf32, #tpu.memory_space<vmem>>, vector<1x16xf32>,
      %mul3A_270 = arith.constant 128 : i32
      %mul3A_271 = arith.muli %add3A_215, %mul3A_270 : i32
      %add3A_272 = arith.constant 32 : i32
      %add3A_273 = arith.addi %mul3A_271, %add3A_272 : i32
      %get3A_274 = arith.index_cast %add3A_273 : i32 to index
      %get3A_275 = tpu.vector_load %arg7[%get3A_274] {strides = array<i32>} : memref<8192xi32, #tpu.memory_space<vmem>>, vector<16xi32>,
      %get3A_276 = vector.shape_cast %get3A_275 : vector<16xi32> to vector<16xi32>
      %get3A_277 = arith.index_cast %add3A_215 : i32 to index
      %get3A_278 = arith.constant 32 : index
      %get3A_279 = tpu.vector_load %arg11[%get3A_277, %get3A_278] {strides = array<i32>} : memref<64x128xf32, #tpu.memory_space<vmem>>, vector<1x16xf32>,
      %get3A_280 = vector.shape_cast %get3A_279 : vector<1x16xf32> to vector<16xf32>
      %get3A_281 = arith.index_cast %add3A_273 : i32 to index
      %get3A_282 = tpu.vector_load %arg8[%get3A_281] {strides = array<i32>} : memref<8192xf32, #tpu.memory_space<vmem>>, vector<16xf32>,
      %get3A_283 = vector.shape_cast %get3A_282 : vector<16xf32> to vector<16xf32>
      %eq3A_284 = arith.constant 0 : i32
      %eq3A_285 = vector.broadcast %eq3A_284 : i32 to vector<16xi32>
      %eq3A_286 = arith.cmpi eq, %get3A_276, %eq3A_285 : vector<16xi32>
      %select_n3A_287 = arith.select %eq3A_286, %get3A_283, %get3A_280 : vector<16xi1>, vector<16xf32>
      %swap3A_288 = arith.index_cast %add3A_215 : i32 to index
      %swap3A_289 = arith.constant 32 : index
      %swap3A_290 = tpu.vector_load %arg11[%swap3A_288, %swap3A_289] {strides = array<i32>} : memref<64x128xf32, #tpu.memory_space<vmem>>, vector<1x16xf32>,
      %swap3A_291 = vector.shape_cast %swap3A_290 : vector<1x16xf32> to vector<16xf32>
      %swap3A_292 = vector.shape_cast %select_n3A_287 : vector<16xf32> to vector<1x16xf32>
      tpu.vector_store %arg11[%swap3A_288, %swap3A_289], %swap3A_292 {strides = array<i32>} : memref<64x128xf32, #tpu.memory_space<vmem>>, vector<1x16xf32>,
      %mul3A_293 = arith.constant 128 : i32
      %mul3A_294 = arith.muli %add3A_215, %mul3A_293 : i32
      %add3A_295 = arith.constant 48 : i32
      %add3A_296 = arith.addi %mul3A_294, %add3A_295 : i32
      %get3A_297 = arith.index_cast %add3A_296 : i32 to index
      %get3A_298 = tpu.vector_load %arg7[%get3A_297] {strides = array<i32>} : memref<8192xi32, #tpu.memory_space<vmem>>, vector<16xi32>,
      %get3A_299 = vector.shape_cast %get3A_298 : vector<16xi32> to vector<16xi32>
      %get3A_300 = arith.index_cast %add3A_215 : i32 to index
      %get3A_301 = arith.constant 48 : index
      %get3A_302 = tpu.vector_load %arg11[%get3A_300, %get3A_301] {strides = array<i32>} : memref<64x128xf32, #tpu.memory_space<vmem>>, vector<1x16xf32>,
      %get3A_303 = vector.shape_cast %get3A_302 : vector<1x16xf32> to vector<16xf32>
      %get3A_304 = arith.index_cast %add3A_296 : i32 to index
      %get3A_305 = tpu.vector_load %arg8[%get3A_304] {strides = array<i32>} : memref<8192xf32, #tpu.memory_space<vmem>>, vector<16xf32>,
      %get3A_306 = vector.shape_cast %get3A_305 : vector<16xf32> to vector<16xf32>
      %eq3A_307 = arith.constant 0 : i32
      %eq3A_308 = vector.broadcast %eq3A_307 : i32 to vector<16xi32>
      %eq3A_309 = arith.cmpi eq, %get3A_299, %eq3A_308 : vector<16xi32>
      %select_n3A_310 = arith.select %eq3A_309, %get3A_306, %get3A_303 : vector<16xi1>, vector<16xf32>
      %swap3A_311 = arith.index_cast %add3A_215 : i32 to index
      %swap3A_312 = arith.constant 48 : index
      %swap3A_313 = tpu.vector_load %arg11[%swap3A_311, %swap3A_312] {strides = array<i32>} : memref<64x128xf32, #tpu.memory_space<vmem>>, vector<1x16xf32>,
      %swap3A_314 = vector.shape_cast %swap3A_313 : vector<1x16xf32> to vector<16xf32>
      %swap3A_315 = vector.shape_cast %select_n3A_310 : vector<16xf32> to vector<1x16xf32>
      tpu.vector_store %arg11[%swap3A_311, %swap3A_312], %swap3A_315 {strides = array<i32>} : memref<64x128xf32, #tpu.memory_space<vmem>>, vector<1x16xf32>,
      %mul3A_316 = arith.constant 128 : i32
      %mul3A_317 = arith.muli %add3A_215, %mul3A_316 : i32
      %add3A_318 = arith.constant 64 : i32
      %add3A_319 = arith.addi %mul3A_317, %add3A_318 : i32
      %get3A_320 = arith.index_cast %add3A_319 : i32 to index
      %get3A_321 = tpu.vector_load %arg7[%get3A_320] {strides = array<i32>} : memref<8192xi32, #tpu.memory_space<vmem>>, vector<16xi32>,
      %get3A_322 = vector.shape_cast %get3A_321 : vector<16xi32> to vector<16xi32>
      %get3A_323 = arith.index_cast %add3A_215 : i32 to index
      %get3A_324 = arith.constant 64 : index
      %get3A_325 = tpu.vector_load %arg11[%get3A_323, %get3A_324] {strides = array<i32>} : memref<64x128xf32, #tpu.memory_space<vmem>>, vector<1x16xf32>,
      %get3A_326 = vector.shape_cast %get3A_325 : vector<1x16xf32> to vector<16xf32>
      %get3A_327 = arith.index_cast %add3A_319 : i32 to index
      %get3A_328 = tpu.vector_load %arg8[%get3A_327] {strides = array<i32>} : memref<8192xf32, #tpu.memory_space<vmem>>, vector<16xf32>,
      %get3A_329 = vector.shape_cast %get3A_328 : vector<16xf32> to vector<16xf32>
      %eq3A_330 = arith.constant 0 : i32
      %eq3A_331 = vector.broadcast %eq3A_330 : i32 to vector<16xi32>
      %eq3A_332 = arith.cmpi eq, %get3A_322, %eq3A_331 : vector<16xi32>
      %select_n3A_333 = arith.select %eq3A_332, %get3A_329, %get3A_326 : vector<16xi1>, vector<16xf32>
      %swap3A_334 = arith.index_cast %add3A_215 : i32 to index
      %swap3A_335 = arith.constant 64 : index
      %swap3A_336 = tpu.vector_load %arg11[%swap3A_334, %swap3A_335] {strides = array<i32>} : memref<64x128xf32, #tpu.memory_space<vmem>>, vector<1x16xf32>,
      %swap3A_337 = vector.shape_cast %swap3A_336 : vector<1x16xf32> to vector<16xf32>
      %swap3A_338 = vector.shape_cast %select_n3A_333 : vector<16xf32> to vector<1x16xf32>
      tpu.vector_store %arg11[%swap3A_334, %swap3A_335], %swap3A_338 {strides = array<i32>} : memref<64x128xf32, #tpu.memory_space<vmem>>, vector<1x16xf32>,
      %mul3A_339 = arith.constant 128 : i32
      %mul3A_340 = arith.muli %add3A_215, %mul3A_339 : i32
      %add3A_341 = arith.constant 80 : i32
      %add3A_342 = arith.addi %mul3A_340, %add3A_341 : i32
      %get3A_343 = arith.index_cast %add3A_342 : i32 to index
      %get3A_344 = tpu.vector_load %arg7[%get3A_343] {strides = array<i32>} : memref<8192xi32, #tpu.memory_space<vmem>>, vector<16xi32>,
      %get3A_345 = vector.shape_cast %get3A_344 : vector<16xi32> to vector<16xi32>
      %get3A_346 = arith.index_cast %add3A_215 : i32 to index
      %get3A_347 = arith.constant 80 : index
      %get3A_348 = tpu.vector_load %arg11[%get3A_346, %get3A_347] {strides = array<i32>} : memref<64x128xf32, #tpu.memory_space<vmem>>, vector<1x16xf32>,
      %get3A_349 = vector.shape_cast %get3A_348 : vector<1x16xf32> to vector<16xf32>
      %get3A_350 = arith.index_cast %add3A_342 : i32 to index
      %get3A_351 = tpu.vector_load %arg8[%get3A_350] {strides = array<i32>} : memref<8192xf32, #tpu.memory_space<vmem>>, vector<16xf32>,
      %get3A_352 = vector.shape_cast %get3A_351 : vector<16xf32> to vector<16xf32>
      %eq3A_353 = arith.constant 0 : i32
      %eq3A_354 = vector.broadcast %eq3A_353 : i32 to vector<16xi32>
      %eq3A_355 = arith.cmpi eq, %get3A_345, %eq3A_354 : vector<16xi32>
      %select_n3A_356 = arith.select %eq3A_355, %get3A_352, %get3A_349 : vector<16xi1>, vector<16xf32>
      %swap3A_357 = arith.index_cast %add3A_215 : i32 to index
      %swap3A_358 = arith.constant 80 : index
      %swap3A_359 = tpu.vector_load %arg11[%swap3A_357, %swap3A_358] {strides = array<i32>} : memref<64x128xf32, #tpu.memory_space<vmem>>, vector<1x16xf32>,
      %swap3A_360 = vector.shape_cast %swap3A_359 : vector<1x16xf32> to vector<16xf32>
      %swap3A_361 = vector.shape_cast %select_n3A_356 : vector<16xf32> to vector<1x16xf32>
      tpu.vector_store %arg11[%swap3A_357, %swap3A_358], %swap3A_361 {strides = array<i32>} : memref<64x128xf32, #tpu.memory_space<vmem>>, vector<1x16xf32>,
      %mul3A_362 = arith.constant 128 : i32
      %mul3A_363 = arith.muli %add3A_215, %mul3A_362 : i32
      %add3A_364 = arith.constant 96 : i32
      %add3A_365 = arith.addi %mul3A_363, %add3A_364 : i32
      %get3A_366 = arith.index_cast %add3A_365 : i32 to index
      %get3A_367 = tpu.vector_load %arg7[%get3A_366] {strides = array<i32>} : memref<8192xi32, #tpu.memory_space<vmem>>, vector<16xi32>,
      %get3A_368 = vector.shape_cast %get3A_367 : vector<16xi32> to vector<16xi32>
      %get3A_369 = arith.index_cast %add3A_215 : i32 to index
      %get3A_370 = arith.constant 96 : index
      %get3A_371 = tpu.vector_load %arg11[%get3A_369, %get3A_370] {strides = array<i32>} : memref<64x128xf32, #tpu.memory_space<vmem>>, vector<1x16xf32>,
      %get3A_372 = vector.shape_cast %get3A_371 : vector<1x16xf32> to vector<16xf32>
      %get3A_373 = arith.index_cast %add3A_365 : i32 to index
      %get3A_374 = tpu.vector_load %arg8[%get3A_373] {strides = array<i32>} : memref<8192xf32, #tpu.memory_space<vmem>>, vector<16xf32>,
      %get3A_375 = vector.shape_cast %get3A_374 : vector<16xf32> to vector<16xf32>
      %eq3A_376 = arith.constant 0 : i32
      %eq3A_377 = vector.broadcast %eq3A_376 : i32 to vector<16xi32>
      %eq3A_378 = arith.cmpi eq, %get3A_368, %eq3A_377 : vector<16xi32>
      %select_n3A_379 = arith.select %eq3A_378, %get3A_375, %get3A_372 : vector<16xi1>, vector<16xf32>
      %swap3A_380 = arith.index_cast %add3A_215 : i32 to index
      %swap3A_381 = arith.constant 96 : index
      %swap3A_382 = tpu.vector_load %arg11[%swap3A_380, %swap3A_381] {strides = array<i32>} : memref<64x128xf32, #tpu.memory_space<vmem>>, vector<1x16xf32>,
      %swap3A_383 = vector.shape_cast %swap3A_382 : vector<1x16xf32> to vector<16xf32>
      %swap3A_384 = vector.shape_cast %select_n3A_379 : vector<16xf32> to vector<1x16xf32>
      tpu.vector_store %arg11[%swap3A_380, %swap3A_381], %swap3A_384 {strides = array<i32>} : memref<64x128xf32, #tpu.memory_space<vmem>>, vector<1x16xf32>,
      %mul3A_385 = arith.constant 128 : i32
      %mul3A_386 = arith.muli %add3A_215, %mul3A_385 : i32
      %add3A_387 = arith.constant 112 : i32
      %add3A_388 = arith.addi %mul3A_386, %add3A_387 : i32
      %get3A_389 = arith.index_cast %add3A_388 : i32 to index
      %get3A_390 = tpu.vector_load %arg7[%get3A_389] {strides = array<i32>} : memref<8192xi32, #tpu.memory_space<vmem>>, vector<16xi32>,
      %get3A_391 = vector.shape_cast %get3A_390 : vector<16xi32> to vector<16xi32>
      %get3A_392 = arith.index_cast %add3A_215 : i32 to index
      %get3A_393 = arith.constant 112 : index
      %get3A_394 = tpu.vector_load %arg11[%get3A_392, %get3A_393] {strides = array<i32>} : memref<64x128xf32, #tpu.memory_space<vmem>>, vector<1x16xf32>,
      %get3A_395 = vector.shape_cast %get3A_394 : vector<1x16xf32> to vector<16xf32>
      %get3A_396 = arith.index_cast %add3A_388 : i32 to index
      %get3A_397 = tpu.vector_load %arg8[%get3A_396] {strides = array<i32>} : memref<8192xf32, #tpu.memory_space<vmem>>, vector<16xf32>,
      %get3A_398 = vector.shape_cast %get3A_397 : vector<16xf32> to vector<16xf32>
      %eq3A_399 = arith.constant 0 : i32
      %eq3A_400 = vector.broadcast %eq3A_399 : i32 to vector<16xi32>
      %eq3A_401 = arith.cmpi eq, %get3A_391, %eq3A_400 : vector<16xi32>
      %select_n3A_402 = arith.select %eq3A_401, %get3A_398, %get3A_395 : vector<16xi1>, vector<16xf32>
      %swap3A_403 = arith.index_cast %add3A_215 : i32 to index
      %swap3A_404 = arith.constant 112 : index
      %swap3A_405 = tpu.vector_load %arg11[%swap3A_403, %swap3A_404] {strides = array<i32>} : memref<64x128xf32, #tpu.memory_space<vmem>>, vector<1x16xf32>,
      %swap3A_406 = vector.shape_cast %swap3A_405 : vector<1x16xf32> to vector<16xf32>
      %swap3A_407 = vector.shape_cast %select_n3A_402 : vector<16xf32> to vector<1x16xf32>
      tpu.vector_store %arg11[%swap3A_403, %swap3A_404], %swap3A_407 {strides = array<i32>} : memref<64x128xf32, #tpu.memory_space<vmem>>, vector<1x16xf32>,
    }
    %scan3A_17 = arith.constant 32 : i32
    "tpu.region"() ({
      %run_scoped3A = tpu.sem_alloc : memref<!tpu.dma_semaphore, #tpu.memory_space<semaphore_mem>>
      %dma_start3A_18 = arith.constant 0 : i32
      %dma_start3A_19 = arith.constant 0 : i32
      %dma_start3A_20 = tpu.memref_slice %arg6[%add3A, %dma_start3A_18, %dma_start3A_19] : memref<32x64x128xf32, #tpu.memory_space<hbm>> -> memref<1x64x128xf32, #tpu.memory_space<hbm>>
      %dma_start3A_21 = tpu.memref_squeeze %dma_start3A_20 : memref<1x64x128xf32, #tpu.memory_space<hbm>> -> memref<64x128xf32, #tpu.memory_space<hbm>>
      %dma_start3A_22 = arith.constant 0 : i32
      %dma_start3A_23 = arith.constant 0 : i32
      %dma_start3A_24 = tpu.memref_slice %arg6[%add3A, %dma_start3A_22, %dma_start3A_23] : memref<32x64x128xf32, #tpu.memory_space<hbm>> -> memref<1x64x128xf32, #tpu.memory_space<hbm>>
      %dma_start3A_25 = tpu.memref_squeeze %dma_start3A_24 : memref<1x64x128xf32, #tpu.memory_space<hbm>> -> memref<64x128xf32, #tpu.memory_space<hbm>>
      tpu.enqueue_dma source(%arg11 : memref<64x128xf32, #tpu.memory_space<vmem>>) target(%dma_start3A_25 : memref<64x128xf32, #tpu.memory_space<hbm>>) target_semaphore(%run_scoped3A : memref<!tpu.dma_semaphore, #tpu.memory_space<semaphore_mem>>)
      %dma_wait3A_26 = arith.constant 0 : i32
      %dma_wait3A_27 = arith.constant 0 : i32
      %dma_wait3A_28 = tpu.memref_slice %arg6[%add3A, %dma_wait3A_26, %dma_wait3A_27] : memref<32x64x128xf32, #tpu.memory_space<hbm>> -> memref<1x64x128xf32, #tpu.memory_space<hbm>>
      %dma_wait3A_29 = tpu.memref_squeeze %dma_wait3A_28 : memref<1x64x128xf32, #tpu.memory_space<hbm>> -> memref<64x128xf32, #tpu.memory_space<hbm>>
      %dma_wait3A_30 = arith.constant 0 : i32
      %dma_wait3A_31 = arith.constant 0 : i32
      %dma_wait3A_32 = tpu.memref_slice %arg6[%add3A, %dma_wait3A_30, %dma_wait3A_31] : memref<32x64x128xf32, #tpu.memory_space<hbm>> -> memref<1x64x128xf32, #tpu.memory_space<hbm>>
      %dma_wait3A_33 = tpu.memref_squeeze %dma_wait3A_32 : memref<1x64x128xf32, #tpu.memory_space<hbm>> -> memref<64x128xf32, #tpu.memory_space<hbm>>
      tpu.wait_dma2 semaphore(%run_scoped3A : memref<!tpu.dma_semaphore, #tpu.memory_space<semaphore_mem>>) src(%arg11 : memref<64x128xf32, #tpu.memory_space<vmem>>) dst(%dma_wait3A_33 : memref<64x128xf32, #tpu.memory_space<hbm>>)
      tpu.yield
    }) : () -> ()
    return
  }
}

</mosaic_0001>

<sc_bundles>
// kernel: kernel.3.cloned.1.call-start
scs
__scs_entry_jumppad:
0x0: {  	(pc) =	sbr.rel $0x88, $3  }
0x1: {  	(tag) =	ssettag $0x0;
	lr =	simm.s32 $0x1  }
0x2: {  	[smem:$0x3F9D] =	sst lr;
	_ =	strace $0xD0000000  }
0x3: {  	_ = 	snop  }
0x4: {  	_ = 	snop  }
0x5: {  	_ = 	snop  }
0x6: {  	_ = 	snop  }
0x7: {  	_ = 	snop  }
__scs_overlays_trampoline_lowered:
0x8: {  	[smem:$0x3FAC] =	sst s0  }
0x9: {  	[smem:$0x3FAD] =	sst s1  }
0xa: {  	[smem:$0x3FAE] =	sst s2  }
0xb: {  	[smem:$0x3FAF] =	sst s3  }
0xc: {  	[smem:$0x3FB0] =	sst s4  }
0xd: {  	[smem:$0x3FB1] =	sst s5  }
0xe: {  	[smem:$0x3FB2] =	sst s6  }
0xf: {  	[smem:$0x3FB3] =	sst s7  }
0x10: {  	[smem:$0x3FB4] =	sst s8  }
0x11: {  	[smem:$0x3FB5] =	sst s9;
	s0 =	simm.s32 @!p0 $0x0  }
0x12: {  	s1 =	sld [smem:$0x3F9B];
	s0 =	simm.s32 @p0 $0x1  }
0x13: {  	[smem:$0x3FB6] =	sst s0;
	s0 =	simm.s32 @!p1 $0x0  }
0x14: {  	s2 =	sld [smem:$0x3F9A];
	s0 =	simm.s32 @p1 $0x1  }
0x15: {  	[smem:$0x3FB7] =	sst s0;
	s0 =	simm.s32 @!p2 $0x0  }
0x16: {  	s3 =	sld [smem:$0x3FDB];
	s0 =	simm.s32 @p2 $0x1  }
0x17: {  	s4 =	simm.s32 $0x1BF5;
	[smem:$0x3FB9] =	sst s0  }
0x18: {  	s0 =	sld [smem:$0x3F9C];
	_ =	swait.ge [sflag:s4], $0x0  }
0x19: {  	s7 =	sld [smem:$0x3F9D]  }
0x1a: {  	s8 =	sadd.s32 $0xFFFFE003, lr  }
0x1b: {  	s9 =	sadd.s32 $0xFFFFFEF7, lr;
	s5 =	simm.s32 $0xFFFFFFFF;
	p2 =	slt.u32 s8, $0xFFFFF086  }
0x1c: {  	p1 =	slt.u32 s9, $0xF7A;
	s5 =	simm.s32 @!p2 $0x0  }
0x1d: {  	s5 =	simm.s32 @p1 $0x1;
	p0 =	seq.s32 s7, s2  }
0x1e: {  	s7 =	smul.u32 @!p0 $0xF7A, s2;
	p2 =	seq.s32 @!p0 s5, $0x0  }
0x1f: {  	s9 =	smul.u32 $0xF7A, s1;
	s8 =	simm.s32 @!p0 $0x1BF5;
	p2 =	por !p2, p0  }
0x20: {  	[sflag:s8] =	ssyncset.s32 @!p0 $0xFFFFF086;
	s6 =	sadd.s32 @!p0 s3, s7;
	s7 =	simm.s32 @!p0 $0x108  }
0x21: {  	s3 =	sadd.s32 s3, s9;
	s6 =	sadd.s32 @!p0 $0x88, s6;
	s7 =	simm.s32 @p2 $0x1082  }
0x22: {  	[simem:s7], [sflag:s8] =	dma.local @!p0 [hbm:s6], $0xF7A  }
0x23: {  	s9 =	sor.u32 $0xD0000000, s2;
	s6 =	simm.s32 $0x108;
	_ =	swait.ge @!p0 [sflag:s8], $0x0  }
0x24: {  	s3 =	sadd.s32 $0x88, s3;
	s6 =	simm.s32 @!p1 $0x1082;
	[sflag:s4] =	ssyncset.s32 $0xFFFFF086  }
0x25: {  	[simem:s6], [sflag:s4] =	dma.local [hbm:s3], $0xF7A  }
0x26: {  	[smem:$0x3F9D] =	sst s1;
	(tag) =	ssettag s2;
	_ =	strace s9  }
0x27: {  	s1 =	sld [smem:$0x3FAD]  }
0x28: {  	s2 =	sld [smem:$0x3FAE]  }
0x29: {  	s4 =	sld [smem:$0x3FB0]  }
0x2a: {  	p0 =	seq.s32 s5, $0x0;
	s5 =	sld [smem:$0x3FB1]  }
0x2b: {  	s6 =	sld [smem:$0x3FB2]  }
0x2c: {  	s7 =	sld [smem:$0x3FB3]  }
0x2d: {  	s3 =	simm.s32 $0x108;
	s8 =	sld [smem:$0x3FB4]  }
0x2e: {  	s3 =	simm.s32 @!p0 $0x1082;
	s9 =	sld [smem:$0x3FB5]  }
0x2f: {  	lr =	sadd.s32 s0, s3;
	s0 =	sld [smem:$0x3FAC]  }
0x30: {  	s3 =	sld [smem:$0x3FAF]  }
0x31: {  	[smem:$0x3FB8] =	sst s10  }
0x32: {  	s10 =	sld [smem:$0x3FB6];
	_ =	sdelay $0x3  }
0x33: {  	p0 =	seq.s32 s10, $0x1;
	s10 =	sld [smem:$0x3FB8];
	_ =	sdelay $0x3  }
0x34: {  	[smem:$0x3FB8] =	sst s10  }
0x35: {  	s10 =	sld [smem:$0x3FB7];
	_ =	sdelay $0x3  }
0x36: {  	p1 =	seq.s32 s10, $0x1;
	s10 =	sld [smem:$0x3FB8];
	_ =	sdelay $0x3  }
0x37: {  	[smem:$0x3FB8] =	sst s10  }
0x38: {  	s10 =	sld [smem:$0x3FB9]  }
0x39: {  	_ = 	snop;
	(pc) =	sbr.ind lr, $3  }
0x3a: {  	_ = 	snop  }
0x3b: {  	_ = 	snop  }
0x3c: {  	p2 =	seq.s32 s10, $0x1;
	s10 =	sld [smem:$0x3FB8]  }
0x3d: {  	_ =	shalt  }
0x3e: {  	_ =	shalt  }
0x3f: {  	_ =	shalt  }
0x40: {  	_ =	shalt  }
0x41: {  	_ =	shalt  }
0x42: {  	_ =	shalt  }
0x43: {  	_ =	shalt  }
0x44: {  	_ =	shalt  }
0x45: {  	_ =	shalt  }
0x46: {  	_ =	shalt  }
0x47: {  	_ =	shalt  }
0x48: {  	_ =	shalt  }
0x49: {  	_ =	shalt  }
0x4a: {  	_ =	shalt  }
0x4b: {  	_ =	shalt  }
0x4c: {  	_ =	shalt  }
0x4d: {  	_ =	shalt  }
0x4e: {  	_ =	shalt  }
0x4f: {  	_ =	shalt  }
0x50: {  	_ =	shalt  }
0x51: {  	_ =	shalt  }
0x52: {  	_ =	shalt  }
0x53: {  	_ =	shalt  }
0x54: {  	_ =	shalt  }
0x55: {  	_ =	shalt  }
0x56: {  	_ =	shalt  }
0x57: {  	_ =	shalt  }
0x58: {  	_ =	shalt  }
0x59: {  	_ =	shalt  }
0x5a: {  	_ =	shalt  }
0x5b: {  	_ =	shalt  }
0x5c: {  	_ =	shalt  }
0x5d: {  	_ =	shalt  }
0x5e: {  	_ =	shalt  }
0x5f: {  	_ =	shalt  }
0x60: {  	_ =	shalt  }
0x61: {  	_ =	shalt  }
0x62: {  	_ =	shalt  }
0x63: {  	_ =	shalt  }
0x64: {  	_ =	shalt  }
0x65: {  	_ =	shalt  }
0x66: {  	_ =	shalt  }
0x67: {  	_ =	shalt  }
0x68: {  	_ =	shalt  }
0x69: {  	_ =	shalt  }
0x6a: {  	_ =	shalt  }
0x6b: {  	_ =	shalt  }
0x6c: {  	_ =	shalt  }
0x6d: {  	_ =	shalt  }
0x6e: {  	_ =	shalt  }
0x6f: {  	_ =	shalt  }
0x70: {  	_ =	shalt  }
0x71: {  	_ =	shalt  }
0x72: {  	_ =	shalt  }
0x73: {  	_ =	shalt  }
0x74: {  	_ =	shalt  }
0x75: {  	_ =	shalt  }
0x76: {  	_ =	shalt  }
0x77: {  	_ =	shalt  }
0x78: {  	_ =	shalt  }
0x79: {  	_ =	shalt  }
0x7a: {  	_ =	shalt  }
0x7b: {  	_ =	shalt  }
0x7c: {  	_ =	shalt  }
0x7d: {  	_ =	shalt  }
0x7e: {  	_ =	shalt  }
0x7f: {  	_ =	shalt  }
0x80: {  	_ =	shalt  }
0x81: {  	_ =	shalt  }
0x82: {  	_ =	shalt  }
0x83: {  	_ =	shalt  }
0x84: {  	_ =	shalt  }
0x85: {  	_ =	shalt  }
0x86: {  	_ =	shalt  }
0x87: {  	_ =	shalt  }
.Lfunc_end0:
.L_simem_size_0:
called_computation_lowered:
.L_overlay_start_0:
0x88: {  	s2 =	sld [smem:$0x3FD9]  }
0x89: {  	s3 =	sld [smem:$0x3FFE];
	_ =	sdelay $0x1  }
0x8a: {  	s1 =	srdreg.scid  }
0x8b: {  	s0 =	sand.u32 $0x1, s1  }
0x8c: {  	s17 =	sshll.u32 s0, $0xA;
	s2 =	sadd.s32 s3, s2  }
0x8d: {  	s2 =	sadd.s32 s2, s17  }
0x8e: {  	[smem:$0x3FC4] =	sst s2  }
0x8f: {  	_ = 	snop  }
0x90: {  	s2 =	sld [smem:$0x3FC9]  }
0x91: {  	s18 =	sld [smem:$0x3FC8]  }
0x92: {  	s4 =	sld [smem:$0x3FC7]  }
0x93: {  	s5 =	sld [smem:$0x3FD0];
	(tm) =	ssettm $0x1  }
0x94: {  	s6 =	sld [smem:$0x3FFB];
	_ =	sdelay $0x3  }
0x95: {  	_ =	strace s6  }
0x96: {  	s6 =	sld [smem:$0x3FFC];
	_ =	sdelay $0x3  }
0x97: {  	_ =	strace s6  }
0x98: {  	s6 =	sld [smem:$0x3FFD];
	_ =	sdelay $0x3  }
0x99: {  	_ =	strace s6  }
0x9a: {  	_ =	strace $0x8FFFFFFF  }
0x9b: {  	s19 =	sld [smem:$0x3FDB];
	_ =	sdelay $0x1  }
0x9c: {  	s7 =	simm.s32 $_scs_section_size  }
0x9d: {  	s8 =	simm.s32 $_size__tile_overlayer_lowered;
	s9 =	simm.s32 $_tile_overlayer_lowered  }
0x9e: {  	s22 =	simm.s32 $0x1BFF;
	s21 =	sshll.u32 s9, $0x1;
	s6 =	sadd.s32 s7, s19  }
0x9f: {  	s10 =	simm.s32 $0x0;
	s20 =	sshll.u32 s8, $0x1;
	s8 =	sadd.s32 s21, s6  }
0xa0: {  	[timem:s10], [sflag:s22] =	dma.local [hbm:s8], s20  }
0xa1: {  	_ =	swait.ge [sflag:s22], s20  }
0xa2: {  	s7 =	ssub.s32 $0x0, s20;
	[sflag:s22] =	ssyncset.done $0x0  }
0xa3: {  	[sflag:s22] =	ssyncadd.s32 s7;
	_ =	sdelay $0x1  }
0xa4: {  	s23 =	simm.s32 $0x1B8B  }
0xa5: {  	_ =	swait.ge [sflag:s23], $0x1  }
0xa6: {  	[sflag:s23] =	ssyncset.done $0x0  }
0xa7: {  	s25 =	simm.s32 $0x1B8E;
	s24 =	sld [smem:$0x3FFE];
	[sflag:s23] =	ssyncadd.s32 $0xFFFFFFFF  }
0xa8: {  	s26 =	simm.s32 $execute0_lowered;
	[smem:$0x3FD2] =	sst s25  }
0xa9: {  	s8 =	sshll.u32 s26, $0x1;
	_ =	strace $0x80000046;
	[dreg:$0x1] =	wrdreg $0xFFFFFFFF  }
0xaa: {  	s28 =	simm.s32 $_size_execute0_lowered;
	s6 =	sadd.s32 s6, s8;
	[dreg:$0x0] =	wrdreg $0x0  }
0xab: {  	s8 =	sshll.u32 s28, $0x1;
	[dreg:$0x2] =	wrdreg s6  }
0xac: {  	[dreg:$0x3] =	wrdreg s8  }
0xad: {  	[dreg:$0x4] =	wrdreg $0xC0  }
0xae: {  	_ =	task [dreg:s10], $0x5FFFF  }
0xaf: {  	[dreg:$0x1] =	wrdreg $0xFFFFFFFF  }
0xb0: {  	[dreg:$0x0] =	wrdreg $0x60  }
0xb1: {  	[dreg:$0x2] =	wrdreg s2  }
0xb2: {  	[dreg:$0x3] =	wrdreg s18  }
0xb3: {  	[dreg:$0x4] =	wrdreg s4  }
0xb4: {  	[dreg:$0x5] =	wrdreg s24  }
0xb5: {  	[dreg:$0x6] =	wrdreg s5  }
0xb6: {  	[dreg:$0x7] =	wrdreg $0x9  }
0xb7: {  	_ =	task.clear_ibuf [dreg:s10], $0x8FFFF;
	_ =	strace $0x90000046  }
0xb8: {  	s29 =	simm.s32 $0x9;
	_ =	strace $0x80000048  }
0xb9: {  	_ =	swait.ge [sflag:s29], $0x1  }
0xba: {  	[sflag:s29] =	ssyncadd.s32 $0xFFFFFFFF  }
0xbb: {  	_ =	strace $0x90000048  }
0xbc: {  	_ =	sfence  }
0xbd: {  	s30 =	sld [smem:$0x0];
	_ =	sdelay $0x2  }
0xbe: {  	s31 =	sshll.u32 s1, $0xD;
	s1 =	sshrl.u32 s1, $0x2  }
0xbf: {  	s3 =	sand.u32 $0x4000, s31;
	s1 =	sadd.s32 s1, s30  }
0xc0: {  	s0 =	sor.u32 s3, s0;
	s1 =	sshll.u32 s1, $0x11  }
0xc1: {  	s0 =	sor.u32 s1, s0  }
0xc2: {  	s0 =	sadd.s32 $0x8F2B, s0  }
0xc3: {  	[sflag:s0] =	ssyncadd.remote.s32 $0x1  }
0xc4: {  	_ =	sfence.sel $0xFFFF  }
0xc5: {  	[dreg:$0x0] =	wrdreg $0xFFFFFFFF;
	(pc) =	sbr.abs _section_cstart, $3  }
0xc6: {  	[dreg:$0x1] =	wrdreg $0xFFFFFFFF  }
0xc7: {  	_ =	task.clear_ibuf [dreg:s10], $0x2FFFF;
	_ =	strace $0x9FFFFFFF  }
0xc8: {  	(tm) =	ssettm $0x7FFFFFFF  }
0xc9: {  	_ =	shalt  }
tec
execute0_lowered:
.L_overlay_start_1:
0x0: {  	(tag) =	ssettag $0x1  }
0x1: {  	s1 =	rddreg [dreg:$0x0]  }
0x2: {  	s6 =	rddreg [dreg:$0x1]  }
0x3: {  	s5 =	rddreg [dreg:$0x2]  }
0x4: {  	s4 =	rddreg [dreg:$0x3]  }
0x5: {  	s7 =	rddreg [dreg:$0x4]  }
0x6: {  	s0 =	rddreg [dreg:$0x5];
	s3 =	simm.s32 $0x0;
	s8 =	srdreg.scid  }
0x7: {  	s2 =	stileid.u32;
	s13 =	simm.s32 $0x80;
	s14 =	simm.s32 $0x2  }
0x8: {  	s15 =	simm.s32 $0x1;
	s16 =	simm.s32 $0x6080;
	s17 =	simm.s32 $0x0  }
0x9: {  	[smem:$0x7FF] =	sst s3;
	s9 =	sand.u32 $0x1, s8;
	s10 =	sshll.u32 s2, $0xE  }
0xa: {  	s4 =	sadd.s32 $0x400, s4;
	s31 =	sshll.u32 s2, $0x11;
	s8 =	ssub.s32 $0x2, s9  }
0xb: {  	s11 =	sshll.u32 s9, $0xD;
	_ =	strace $0x80000047;
	s9 =	sshll.u32 s9, $0x10  }
0xc: {  	s12 =	sshrl.u32 s8, $0x1;
	s10 =	sor.u32 s11, s10;
	s9 =	sor.u32 s9, s31  }
0xd: {  	s11 =	simm.s32 $0x2000;
	s8 =	ssub.s32 s8, s12;
	s10 =	sshrl.u32 s10, $0x3  }
0xe: {  	s12 =	simm.s32 $0x4000;
	s5 =	sadd.s32 s5, s10;
	s6 =	sadd.s32 s6, s10  }
0xf: {  	v0 =	vlaneseq.u32;
	s7 =	sadd.s32 s7, s10;
	s8 =	smax.u32 s8, $0x1;
	s10 =	simm.s32 $0x3  }
.LBB2_1:
0x10: {  	[tilespmem:s3], [sflag:$0x3] =	stream.linear.gather [hbm4b:s5+s3], $0x2000, $0x38;
	[tilespmem:$0x8080] =	vst v63  }
0x11: {  	_ =	swait.ge [sflag:s10], $0x2000  }
0x12: {  	[sflag:s10] =	ssyncset.done $0x0  }
0x13: {  	[sflag:s10] =	ssyncadd.s32 $0xFFFFE000  }
0x14: {  	[tilespmem:s11], [sflag:$0x2] =	stream.linear.gather [hbm4b:s6+s3], $0x2000, $0x38;
	[tilespmem:$0x8080] =	vst v63  }
0x15: {  	_ = 	snop  }
0x16: {  	[tilespmem:s12], [sflag:$0x3] =	stream.linear.gather [hbm4b:s4+s3], $0x80, $0x38;
	[tilespmem:$0x8080] =	vst v63  }
0x17: {  	_ =	swait.ge [sflag:s10], $0x80  }
0x18: {  	[sflag:s10] =	ssyncset.done $0x0  }
0x19: {  	[sflag:s10] =	ssyncadd.s32 $0xFFFFFF80  }
0x1a: {  	s19 =	simm.s32 $0x40;
	v1 =	vld [tilespmem:$0x4000]  }
0x1b: {  	v2 =	vld [tilespmem:s19+$0xFFFFFFC0];
	_ =	sdelay $0x4  }
0x1c: {  	v2 =	vsub.s32 v1, v2  }
0x1d: {  	v3 =	vshll.u32 v2, $0x7  }
0x1e: {  	s20 =	sadd.s32 $0x0, s9;
	v3 =	vand.u32 $0x380, v3  }
0x1f: {  	v2 =	vshll.u32 v2, $0x12;
	v3 =	vor.u32 s20, v3  }
0x20: {  	v2 =	vand.u32 $0x1E00000, v2;
	v3 =	vor.u32 v0, v3  }
0x21: {  	s18 =	simm.s32 $0x4080;
	v2 =	vadd.s32 v2, v3  }
0x22: {  	[tilespmem:s18+$0x0] =	vst v2  }
0x23: {  	v2 =	vld [tilespmem:s19+$0xFFFFFFD0];
	_ =	sdelay $0x4  }
0x24: {  	v2 =	vsub.s32 v1, v2  }
0x25: {  	v3 =	vshll.u32 v2, $0x7  }
0x26: {  	s21 =	sadd.s32 $0x10, s20;
	v3 =	vand.u32 $0x380, v3  }
0x27: {  	v2 =	vshll.u32 v2, $0x12;
	v3 =	vor.u32 s21, v3  }
0x28: {  	v2 =	vand.u32 $0x1E00000, v2;
	v3 =	vor.u32 v0, v3  }
0x29: {  	v2 =	vadd.s32 v2, v3  }
0x2a: {  	[tilespmem:s18+$0x10] =	vst v2  }
0x2b: {  	v2 =	vld [tilespmem:s19+$0xFFFFFFE0];
	_ =	sdelay $0x4  }
0x2c: {  	v2 =	vsub.s32 v1, v2  }
0x2d: {  	v3 =	vshll.u32 v2, $0x7  }
0x2e: {  	s25 =	sadd.s32 $0x20, s20;
	v3 =	vand.u32 $0x380, v3  }
0x2f: {  	v2 =	vshll.u32 v2, $0x12;
	v3 =	vor.u32 s25, v3  }
0x30: {  	v2 =	vand.u32 $0x1E00000, v2;
	v3 =	vor.u32 v0, v3  }
0x31: {  	v2 =	vadd.s32 v2, v3  }
0x32: {  	[tilespmem:s18+$0x20] =	vst v2  }
0x33: {  	v2 =	vld [tilespmem:s19+$0xFFFFFFF0];
	_ =	sdelay $0x4  }
0x34: {  	v2 =	vsub.s32 v1, v2  }
0x35: {  	v3 =	vshll.u32 v2, $0x7  }
0x36: {  	s26 =	sadd.s32 $0x30, s20;
	v3 =	vand.u32 $0x380, v3  }
0x37: {  	v2 =	vshll.u32 v2, $0x12;
	v3 =	vor.u32 s26, v3  }
0x38: {  	v2 =	vand.u32 $0x1E00000, v2;
	v3 =	vor.u32 v0, v3  }
0x39: {  	v2 =	vadd.s32 v2, v3  }
0x3a: {  	[tilespmem:s18+$0x30] =	vst v2  }
0x3b: {  	v2 =	vld [tilespmem:s19+$0x0];
	_ =	sdelay $0x4  }
0x3c: {  	v2 =	vsub.s32 v1, v2  }
0x3d: {  	v3 =	vshll.u32 v2, $0x7  }
0x3e: {  	s28 =	sadd.s32 $0x40, s20;
	v3 =	vand.u32 $0x380, v3  }
0x3f: {  	v2 =	vshll.u32 v2, $0x12;
	v3 =	vor.u32 s28, v3  }
0x40: {  	v2 =	vand.u32 $0x1E00000, v2;
	v3 =	vor.u32 v0, v3  }
0x41: {  	v2 =	vadd.s32 v2, v3  }
0x42: {  	[tilespmem:s18+$0x40] =	vst v2  }
0x43: {  	v2 =	vld [tilespmem:s19+$0x10];
	_ =	sdelay $0x4  }
0x44: {  	v2 =	vsub.s32 v1, v2  }
0x45: {  	v3 =	vshll.u32 v2, $0x7  }
0x46: {  	s29 =	sadd.s32 $0x50, s20;
	v3 =	vand.u32 $0x380, v3  }
0x47: {  	v2 =	vshll.u32 v2, $0x12;
	v3 =	vor.u32 s29, v3  }
0x48: {  	v2 =	vand.u32 $0x1E00000, v2;
	v3 =	vor.u32 v0, v3  }
0x49: {  	v2 =	vadd.s32 v2, v3  }
0x4a: {  	[tilespmem:s18+$0x50] =	vst v2  }
0x4b: {  	v2 =	vld [tilespmem:s19+$0x20];
	_ =	sdelay $0x4  }
0x4c: {  	v2 =	vsub.s32 v1, v2  }
0x4d: {  	v3 =	vshll.u32 v2, $0x7  }
0x4e: {  	s30 =	sadd.s32 $0x60, s20;
	v3 =	vand.u32 $0x380, v3  }
0x4f: {  	v2 =	vshll.u32 v2, $0x12;
	v3 =	vor.u32 s30, v3  }
0x50: {  	v2 =	vand.u32 $0x1E00000, v2;
	v3 =	vor.u32 v0, v3  }
0x51: {  	v2 =	vadd.s32 v2, v3  }
0x52: {  	[tilespmem:s18+$0x60] =	vst v2  }
0x53: {  	v2 =	vld [tilespmem:s19+$0x30];
	_ =	sdelay $0x4  }
0x54: {  	v2 =	vsub.s32 v1, v2  }
0x55: {  	v3 =	vshll.u32 v2, $0x7  }
0x56: {  	s31 =	sadd.s32 $0x70, s20;
	v3 =	vand.u32 $0x380, v3  }
0x57: {  	v2 =	vshll.u32 v2, $0x12;
	v3 =	vor.u32 s31, v3  }
0x58: {  	v2 =	vand.u32 $0x1E00000, v2;
	v3 =	vor.u32 v0, v3  }
0x59: {  	s22 =	simm.s32 $0x4100;
	s23 =	simm.s32 $0x6080;
	v2 =	vadd.s32 v2, v3  }
0x5a: {  	s20 =	simm.s32 $0xC0;
	s21 =	simm.s32 $0x6100;
	s19 =	simm.s32 $0x400;
	[tilespmem:s18+$0x70] =	vst v2  }
.LBB2_2:
0x5b: {  	[tilespmem:s23], [sflag:$0x1] =	stream.indirect.gather [hbm4b:s1+s13], $0x1, s18, s13, $0xb8;
	[tilespmem:$0x8080] =	vst v63  }
0x5c: {  	p0 =	sne.s32 s19, $0xFC00;
	s24 =	smov.u32 s19;
	s19 =	sadd.s32 $0x400, s19;
	v2 =	vld [tilespmem:s20+$0xFFFFFFC0]  }
0x5d: {  	s23 =	smov.u32 s21;
	s18 =	smov.u32 s22;
	_ =	sdelay $0x3  }
0x5e: {  	v2 =	vsub.s32 v1, v2  }
0x5f: {  	v3 =	vshll.u32 v2, $0x12;
	v2 =	vshll.u32 v2, $0x7  }
0x60: {  	s24 =	sadd.s32 s24, s9;
	v2 =	vand.u32 $0x380, v2  }
0x61: {  	v2 =	vor.u32 s24, v2  }
0x62: {  	v3 =	vand.u32 $0x1E00000, v3;
	v2 =	vor.u32 v0, v2  }
0x63: {  	v2 =	vadd.s32 v3, v2  }
0x64: {  	[tilespmem:s22+$0x0] =	vst v2  }
0x65: {  	v2 =	vld [tilespmem:s20+$0xFFFFFFD0];
	_ =	sdelay $0x4  }
0x66: {  	v2 =	vsub.s32 v1, v2  }
0x67: {  	v3 =	vshll.u32 v2, $0x12;
	v2 =	vshll.u32 v2, $0x7  }
0x68: {  	s25 =	sadd.s32 $0x10, s24;
	v2 =	vand.u32 $0x380, v2  }
0x69: {  	v2 =	vor.u32 s25, v2  }
0x6a: {  	v3 =	vand.u32 $0x1E00000, v3;
	v2 =	vor.u32 v0, v2  }
0x6b: {  	v2 =	vadd.s32 v3, v2  }
0x6c: {  	[tilespmem:s22+$0x10] =	vst v2  }
0x6d: {  	v2 =	vld [tilespmem:s20+$0xFFFFFFE0];
	_ =	sdelay $0x4  }
0x6e: {  	v2 =	vsub.s32 v1, v2  }
0x6f: {  	v3 =	vshll.u32 v2, $0x12;
	v2 =	vshll.u32 v2, $0x7  }
0x70: {  	s25 =	sadd.s32 $0x20, s24;
	v2 =	vand.u32 $0x380, v2  }
0x71: {  	v2 =	vor.u32 s25, v2  }
0x72: {  	v3 =	vand.u32 $0x1E00000, v3;
	v2 =	vor.u32 v0, v2  }
0x73: {  	v2 =	vadd.s32 v3, v2  }
0x74: {  	[tilespmem:s22+$0x20] =	vst v2  }
0x75: {  	v2 =	vld [tilespmem:s20+$0xFFFFFFF0];
	_ =	sdelay $0x4  }
0x76: {  	v2 =	vsub.s32 v1, v2  }
0x77: {  	v3 =	vshll.u32 v2, $0x12;
	v2 =	vshll.u32 v2, $0x7  }
0x78: {  	s25 =	sadd.s32 $0x30, s24;
	v2 =	vand.u32 $0x380, v2  }
0x79: {  	v2 =	vor.u32 s25, v2  }
0x7a: {  	v3 =	vand.u32 $0x1E00000, v3;
	v2 =	vor.u32 v0, v2  }
0x7b: {  	v2 =	vadd.s32 v3, v2  }
0x7c: {  	[tilespmem:s22+$0x30] =	vst v2  }
0x7d: {  	v2 =	vld [tilespmem:s20+$0x0];
	_ =	sdelay $0x4  }
0x7e: {  	v2 =	vsub.s32 v1, v2  }
0x7f: {  	v3 =	vshll.u32 v2, $0x12;
	v2 =	vshll.u32 v2, $0x7  }
0x80: {  	s25 =	sadd.s32 $0x40, s24;
	v2 =	vand.u32 $0x380, v2  }
0x81: {  	v2 =	vor.u32 s25, v2  }
0x82: {  	v3 =	vand.u32 $0x1E00000, v3;
	v2 =	vor.u32 v0, v2  }
0x83: {  	v2 =	vadd.s32 v3, v2  }
0x84: {  	[tilespmem:s22+$0x40] =	vst v2  }
0x85: {  	v2 =	vld [tilespmem:s20+$0x10];
	_ =	sdelay $0x4  }
0x86: {  	v2 =	vsub.s32 v1, v2  }
0x87: {  	v3 =	vshll.u32 v2, $0x12;
	v2 =	vshll.u32 v2, $0x7  }
0x88: {  	s25 =	sadd.s32 $0x50, s24;
	v2 =	vand.u32 $0x380, v2  }
0x89: {  	v2 =	vor.u32 s25, v2  }
0x8a: {  	v3 =	vand.u32 $0x1E00000, v3;
	v2 =	vor.u32 v0, v2  }
0x8b: {  	v2 =	vadd.s32 v3, v2  }
0x8c: {  	[tilespmem:s22+$0x50] =	vst v2  }
0x8d: {  	v2 =	vld [tilespmem:s20+$0x20];
	_ =	sdelay $0x4  }
0x8e: {  	v2 =	vsub.s32 v1, v2  }
0x8f: {  	v3 =	vshll.u32 v2, $0x12;
	v2 =	vshll.u32 v2, $0x7  }
0x90: {  	s25 =	sadd.s32 $0x60, s24;
	v2 =	vand.u32 $0x380, v2  }
0x91: {  	v2 =	vor.u32 s25, v2  }
0x92: {  	v3 =	vand.u32 $0x1E00000, v3;
	v2 =	vor.u32 v0, v2  }
0x93: {  	v2 =	vadd.s32 v3, v2  }
0x94: {  	[tilespmem:s22+$0x60] =	vst v2  }
0x95: {  	v2 =	vld [tilespmem:s20+$0x30];
	_ =	sdelay $0x4  }
0x96: {  	v2 =	vsub.s32 v1, v2  }
0x97: {  	v3 =	vshll.u32 v2, $0x12;
	v2 =	vshll.u32 v2, $0x7  }
.Ltmp0:
0x98: {  	s24 =	sadd.s32 $0x70, s24;
	v2 =	vand.u32 $0x380, v2;
	(pc) =	sbr.rel @p0 .LBB2_2-.Ltmp0, $4  }
0x99: {  	v2 =	vor.u32 s24, v2  }
0x9a: {  	v3 =	vand.u32 $0x1E00000, v3;
	v2 =	vor.u32 v0, v2  }
0x9b: {  	v2 =	vadd.s32 v3, v2  }
0x9c: {  	s21 =	sadd.s32 $0x80, s21;
	s22 =	sadd.s32 $0x80, s22;
	s20 =	sadd.s32 $0x80, s20;
	[tilespmem:s18+$0x70] =	vst v2  }
0x9d: {  	[tilespmem:s23], [sflag:$0x1] =	stream.indirect.gather [hbm4b:s1+s13], $0x1, s18, s13, $0xb8;
	[tilespmem:$0x8080] =	vst v63  }
0x9e: {  	_ =	swait.ge [sflag:s14], $0x2000  }
0x9f: {  	[sflag:s14] =	ssyncset.done $0x0  }
0xa0: {  	s18 =	simm.s32 $0x0;
	[sflag:s14] =	ssyncadd.s32 $0xFFFFE000  }
.LBB2_4:
0xa1: {  	_ =	swait.ge [sflag:s15], $0x80  }
0xa2: {  	[sflag:s15] =	ssyncset.done $0x0  }
0xa3: {  	s19 =	sshra.s32 s18, $0x2;
	[sflag:s15] =	ssyncadd.s32 $0xFFFFFF80  }
0xa4: {  	v1 =	vld [tilespmem:s19+$0x0]  }
0xa5: {  	v2 =	vld [tilespmem:s19+$0x6080]  }
0xa6: {  	v3 =	vld [tilespmem:s19+$0x2000]  }
0xa7: {  	v4 =	vld [tilespmem:s19+$0x10]  }
0xa8: {  	v5 =	vld [tilespmem:s19+$0x6090]  }
0xa9: {  	v6 =	vld [tilespmem:s19+$0x2010]  }
0xaa: {  	v7 =	vld [tilespmem:s19+$0x20]  }
0xab: {  	v8 =	vld [tilespmem:s19+$0x60A0]  }
0xac: {  	v9 =	vld [tilespmem:s19+$0x2020]  }
0xad: {  	v10 =	vld [tilespmem:s19+$0x30]  }
0xae: {  	v11 =	vld [tilespmem:s19+$0x60B0]  }
0xaf: {  	v12 =	vld [tilespmem:s19+$0x2030]  }
0xb0: {  	v13 =	vld [tilespmem:s19+$0x40]  }
0xb1: {  	v14 =	vld [tilespmem:s19+$0x60C0]  }
0xb2: {  	v15 =	vld [tilespmem:s19+$0x2040]  }
0xb3: {  	v16 =	vld [tilespmem:s19+$0x50]  }
0xb4: {  	v17 =	vld [tilespmem:s19+$0x60D0]  }
0xb5: {  	v18 =	vld [tilespmem:s19+$0x2050]  }
0xb6: {  	v19 =	vld [tilespmem:s19+$0x60]  }
0xb7: {  	v20 =	vld [tilespmem:s19+$0x60E0]  }
0xb8: {  	v43 =	vld [tilespmem:s19+$0x60F0];
	vm0 =	veq.s32 v1, $0x0  }
0xb9: {  	v1 =	vld [tilespmem:s19+$0x2060];
	vm13 =	veq.s32 v4, $0x0;
	v2 =	vsel vm0, v3, v2  }
0xba: {  	vm14 =	veq.s32 v7, $0x0;
	v3 =	vld [tilespmem:s19+$0x70];
	[tilespmem:s19+$0x6080] =	vst v2;
	v2 =	vsel vm13, v6, v5  }
0xbb: {  	v44 =	vld [tilespmem:s19+$0x2070];
	vm15 =	veq.s32 v10, $0x0;
	[tilespmem:s19+$0x6090] =	vst v2;
	v2 =	vsel vm14, v9, v8  }
0xbc: {  	vm4 =	veq.s32 v13, $0x0;
	[tilespmem:s19+$0x60A0] =	vst v2;
	v2 =	vsel vm15, v12, v11  }
0xbd: {  	vm6 =	veq.s32 v19, $0x0;
	[tilespmem:s19+$0x60B0] =	vst v2;
	v2 =	vsel vm4, v15, v14  }
0xbe: {  	vm5 =	veq.s32 v16, $0x0;
	v1 =	vsel vm6, v1, v20;
	[tilespmem:s19+$0x60C0] =	vst v2  }
0xbf: {  	v2 =	vsel vm5, v18, v17;
	vm7 =	veq.s32 v3, $0x0;
	[tilespmem:s19+$0x60E0] =	vst v1  }
0xc0: {  	[tilespmem:s19+$0x60D0] =	vst v2;
	v1 =	vsel vm7, v44, v43  }
0xc1: {  	[tilespmem:s19+$0x60F0] =	vst v1  }
0xc2: {  	_ =	swait.ge [sflag:s15], $0x80  }
0xc3: {  	[sflag:s15] =	ssyncset.done $0x0  }
0xc4: {  	[sflag:s15] =	ssyncadd.s32 $0xFFFFFF80  }
0xc5: {  	v1 =	vld [tilespmem:s19+$0x80]  }
0xc6: {  	v2 =	vld [tilespmem:s19+$0x6100]  }
0xc7: {  	v3 =	vld [tilespmem:s19+$0x2080]  }
0xc8: {  	v45 =	vld [tilespmem:s19+$0x90]  }
0xc9: {  	v46 =	vld [tilespmem:s19+$0x6110]  }
0xca: {  	v47 =	vld [tilespmem:s19+$0x2090]  }
0xcb: {  	v48 =	vld [tilespmem:s19+$0xA0]  }
0xcc: {  	v49 =	vld [tilespmem:s19+$0x6120]  }
0xcd: {  	v50 =	vld [tilespmem:s19+$0x20A0]  }
0xce: {  	v51 =	vld [tilespmem:s19+$0xB0]  }
0xcf: {  	v52 =	vld [tilespmem:s19+$0x6130]  }
0xd0: {  	v53 =	vld [tilespmem:s19+$0x20B0]  }
0xd1: {  	v54 =	vld [tilespmem:s19+$0xC0]  }
0xd2: {  	v55 =	vld [tilespmem:s19+$0x6140]  }
0xd3: {  	v56 =	vld [tilespmem:s19+$0x20C0]  }
0xd4: {  	v57 =	vld [tilespmem:s19+$0xD0]  }
0xd5: {  	v58 =	vld [tilespmem:s19+$0x6150]  }
0xd6: {  	v59 =	vld [tilespmem:s19+$0x20D0]  }
0xd7: {  	v60 =	vld [tilespmem:s19+$0xE0]  }
0xd8: {  	v61 =	vld [tilespmem:s19+$0x6160]  }
0xd9: {  	v62 =	vld [tilespmem:s19+$0x6170];
	vm8 =	veq.s32 v1, $0x0  }
0xda: {  	v1 =	vld [tilespmem:s19+$0x20E0];
	vm9 =	veq.s32 v45, $0x0;
	v2 =	vsel vm8, v3, v2  }
0xdb: {  	vm10 =	veq.s32 v48, $0x0;
	v3 =	vld [tilespmem:s19+$0xF0];
	[tilespmem:s19+$0x6100] =	vst v2;
	v2 =	vsel vm9, v47, v46  }
0xdc: {  	v63 =	vld [tilespmem:s19+$0x20F0];
	vm11 =	veq.s32 v51, $0x0;
	[tilespmem:s19+$0x6110] =	vst v2;
	v2 =	vsel vm10, v50, v49  }
0xdd: {  	p0 =	sne.s32 s18, $0x7C00;
	vm12 =	veq.s32 v54, $0x0;
	[tilespmem:s19+$0x6120] =	vst v2;
	v2 =	vsel vm11, v53, v52  }
.Ltmp1:
0xde: {  	vm14 =	veq.s32 v60, $0x0;
	[tilespmem:s19+$0x6130] =	vst v2;
	v2 =	vsel vm12, v56, v55;
	(pc) =	sbr.rel @p0 .LBB2_4-.Ltmp1, $4  }
0xdf: {  	vm13 =	veq.s32 v57, $0x0;
	v1 =	vsel vm14, v1, v61;
	[tilespmem:s19+$0x6140] =	vst v2  }
0xe0: {  	v2 =	vsel vm13, v59, v58;
	vm15 =	veq.s32 v3, $0x0;
	[tilespmem:s19+$0x6160] =	vst v1  }
0xe1: {  	[tilespmem:s19+$0x6150] =	vst v2;
	v1 =	vsel vm15, v63, v62  }
0xe2: {  	s18 =	sadd.s32 $0x400, s18;
	[tilespmem:s19+$0x6170] =	vst v1  }
0xe3: {  	s17 =	sadd.s32 $0x1, s17  }
0xe4: {  	p0 =	sne.s32 s17, s8  }
.Ltmp2:
0xe5: {  	_ = 	snop;
	(pc) =	sbr.rel @p0 .LBB2_1-.Ltmp2, $4  }
0xe6: {  	[hbm4b:s7+s3] =	stream.linear.scatter [tilespmem:s16], [sflag:$0x3], $0x2000, $0x38;
	[tilespmem:$0x8080] =	vst v63  }
0xe7: {  	_ =	swait.ge [sflag:s10], $0x2000  }
0xe8: {  	[sflag:s10] =	ssyncset.done $0x0  }
0xe9: {  	[sflag:s10] =	ssyncadd.s32 $0xFFFFE000  }
0xea: {  	_ =	sfence.sel $0x180000  }
0xeb: {  	[bflag:$0x0] =	sbarrier.arrive $0xFFFF  }
0xec: {  	p0 =	sne.s32 s2, $0x0;
	_ =	strace $0x90000047  }
0xed: {  	s0 =	sadd.s32 @!p0 $0x100000, s0;
	[bflag:$0x2] =	sbarrier.arrive $0xFFFF  }
0xee: {  	[sflag:s0] =	ssyncadd.tile.s32 @!p0 $0x1;
	_ =	shalt  }
.Lfunc_end2:
_tile_overlayer_lowered:
.L_overlay_start_2:
0xef: {  	(tag) =	ssettag $0x2  }
0xf0: {  	s0 =	rddreg [dreg:$0x0];
	s2 =	stileid.u32  }
0xf1: {  	s1 =	rddreg [dreg:$0x1];
	p0 =	sne.s32 s2, $0x0  }
0xf2: {  	s3 =	rddreg [dreg:$0x2];
	[bflag:$0x3] =	sbarrier.arrive $0xFFFF;
	s2 =	simm.s32 @!p0 $0x1C03  }
0xf3: {  	[timem:s3], [sflag:s2] =	dma.local @!p0 [hbm:s0], s1  }
0xf4: {  	s0 =	simm.s32 @!p0 $0x3  }
0xf5: {  	_ =	swait.ge @!p0 [sflag:s0], s1  }
0xf6: {  	s1 =	ssub.s32 @!p0 $0x0, s1;
	[sflag:s0] =	ssyncset.done @!p0 $0x0  }
0xf7: {  	[sflag:s0] =	ssyncadd.s32 @!p0 s1  }
0xf8: {  	[bflag:$0x3] =	sbarrier.arrive $0xFFFF  }
0xf9: {  	_ =	shalt  }

</sc_bundles>
